<compile_context>
chip_gen: v7x
topology: tpu7x:2x2x1
jax: 0.10.2.dev20260603
libtpu: 0.0.44.dev20260713+nightly
codegen_flags: <defaults>
</compile_context>

<pallas_src>
import jax
import jax.numpy as jnp
from jax import lax
from jax.experimental import pallas as pl
from jax.experimental.pallas import tpu as pltpu
from jax.experimental.pallas import tpu_sc as plsc

NC = 2
NS = 16
NW = NC * NS
C = 128
W = 128



def _tc1_body(x_ref, wl_ref, wr_ref, t_ref, z_ref):
    xb = x_ref[...]
    p = jnp.dot(xb, wl_ref[...], preferred_element_type=jnp.float32)
    col = lax.broadcasted_iota(jnp.int32, p.shape, 1)
    t_ref[...] = p + jnp.where(col == 64, 1.0, 0.0)
    z_ref[...] = jnp.dot(xb, wr_ref[...], preferred_element_type=jnp.float32)


def _tc1(x, wl, wr, blk, n_acc):
    n, din = x.shape
    dz = wr.shape[1]
    return pl.pallas_call(
        _tc1_body,
        grid=(n // blk,),
        in_specs=[
            pl.BlockSpec((blk, din), lambda i: (i, 0)),
            pl.BlockSpec((din, W), lambda i: (0, 0)),
            pl.BlockSpec((din, dz), lambda i: (0, 0)),
        ],
        out_specs=[
            pl.BlockSpec((blk, W), lambda i: (i, 0)),
            pl.BlockSpec((blk, dz), lambda i: (i, 0)),
        ],
        out_shape=[
            jax.ShapeDtypeStruct((n_acc, W), jnp.float32),
            jax.ShapeDtypeStruct((n, dz), jnp.float32),
        ],
    )(x, wl, wr)



def _make_sc_pass(n_acc, cpw):
    rpt = n_acc // NS
    zc = rpt // C
    P = cpw // 2
    mesh = plsc.VectorSubcoreMesh(core_axis_name="c", subcore_axis_name="s")
    out_type = jax.ShapeDtypeStruct((NC, n_acc, W), jnp.float32)
    scratch = [
        pltpu.VMEM((C,), jnp.int32),
        pltpu.VMEM((C,), jnp.int32),
        pltpu.VMEM((C, W), jnp.float32),
        pltpu.VMEM((C, W), jnp.float32),
        pltpu.VMEM_SHARED((n_acc, W), jnp.float32),
        pltpu.SemaphoreType.DMA,
    ]

    def body(tbl_hbm, src_hbm, dst_hbm, seg_out, src0, dst0,
             rows0, rows1, acc_sh, sg0):
        c = lax.axis_index("c")
        s = lax.axis_index("s")
        wid = s * NC + c
        base = wid * cpw

        zero16 = jnp.zeros((16,), jnp.float32)

        def fill(i, _):
            for j in range(W // 16):
                rows0[i, pl.ds(j * 16, 16)] = zero16
            return 0

        lax.fori_loop(0, C, fill, 0)

        for k in range(zc):
            pltpu.sync_copy(rows0, acc_sh.at[pl.ds(s * rpt + k * C, C)])

        plsc.subcore_barrier()

        def step(g, _):
            e0 = (g * NW + wid) * C
            pltpu.sync_copy(src_hbm.at[pl.ds(e0, C)], src0)
            pltpu.sync_copy(dst_hbm.at[pl.ds(e0, C)], dst0)
            pltpu.async_copy(tbl_hbm.at[src0], rows0, sg0).wait()
            pltpu.sync_copy(rows0, acc_sh.at[dst0], add=True)
            return 0

        lax.fori_loop(0, cpw, step, 0)

        plsc.subcore_barrier()

        ob = s * rpt
        pltpu.sync_copy(acc_sh.at[pl.ds(ob, rpt)], seg_out.at[c, pl.ds(ob, rpt)])

    return pl.kernel(body, out_type=out_type, mesh=mesh,
                     scratch_types=scratch)



def _tc2_body(s_ref, z_ref, bl_ref, wl_ref, wr_ref, t_ref, z2_ref):
    sa = s_ref[0] + s_ref[1]
    cnt = jnp.sum(sa[:, 64:], axis=1, keepdims=True)
    r = 1.0 / jnp.maximum(cnt, 1.0)
    h = jnp.maximum(sa[:, :64] * r + bl_ref[...] + z_ref[...], 0.0)
    t_ref[...] = jnp.dot(h, wl_ref[...], preferred_element_type=jnp.float32)
    z2_ref[...] = jnp.dot(h, wr_ref[...], preferred_element_type=jnp.float32)


def _tc2(seg, z1, bl, wl, wr, blk, n_acc):
    n, d1 = z1.shape
    dz = wr.shape[1]
    return pl.pallas_call(
        _tc2_body,
        grid=(n // blk,),
        in_specs=[
            pl.BlockSpec((NC, blk, W), lambda i: (0, i, 0)),
            pl.BlockSpec((blk, d1), lambda i: (i, 0)),
            pl.BlockSpec((1, d1), lambda i: (0, 0)),
            pl.BlockSpec((d1, W), lambda i: (0, 0)),
            pl.BlockSpec((d1, dz), lambda i: (0, 0)),
        ],
        out_specs=[
            pl.BlockSpec((blk, W), lambda i: (i, 0)),
            pl.BlockSpec((blk, dz), lambda i: (i, 0)),
        ],
        out_shape=[
            jax.ShapeDtypeStruct((n_acc, W), jnp.float32),
            jax.ShapeDtypeStruct((n, dz), jnp.float32),
        ],
    )(seg, z1, bl, wl, wr)



def _tc3_body(sa_ref, sb_ref, z_ref, bl_ref, wa_ref, ba_ref, out_ref):
    sa = sa_ref[0] + sa_ref[1]
    cnt = jnp.sum(sa[:, 64:], axis=1, keepdims=True)
    r = 1.0 / jnp.maximum(cnt, 1.0)
    sb = sb_ref[0] + sb_ref[1]
    d2 = z_ref.shape[1]
    h = jnp.maximum(sb[:, :d2] * r + bl_ref[...] + z_ref[...], 0.0)
    ang = jnp.sum(h * wa_ref[...], axis=1, keepdims=True) + ba_ref[...]
    cth = jnp.cos(ang)
    sth = jnp.sin(ang)
    col = lax.broadcasted_iota(jnp.int32, out_ref.shape, 1)
    out_ref[...] = jnp.where((col == 0) | (col == 3), cth,
                             jnp.where(col == 1, -sth, sth))


def _tc3(segA, segB, z2, bl, wa, ba, blk):
    n, d2 = z2.shape
    return pl.pallas_call(
        _tc3_body,
        grid=(n // blk,),
        in_specs=[
            pl.BlockSpec((NC, blk, W), lambda i: (0, i, 0)),
            pl.BlockSpec((NC, blk, W), lambda i: (0, i, 0)),
            pl.BlockSpec((blk, d2), lambda i: (i, 0)),
            pl.BlockSpec((1, d2), lambda i: (0, 0)),
            pl.BlockSpec((1, d2), lambda i: (0, 0)),
            pl.BlockSpec((1, 1), lambda i: (0, 0)),
        ],
        out_specs=pl.BlockSpec((blk, 4), lambda i: (i, 0)),
        out_shape=jax.ShapeDtypeStruct((n, 4), jnp.float32),
    )(segA, segB, z2, bl, wa, ba)



def kernel(x, Wl1, bl1, Wr1, Wl2, bl2, Wr2, Wa, ba, edge_index):
    n, din = x.shape
    E = edge_index.shape[1]
    d1 = Wl1.shape[0]
    d2 = Wl2.shape[0]

    epc = NW * C
    EP = ((E + epc - 1) // epc) * epc
    cpw = EP // (NW * C)
    src = edge_index[0]
    dst = edge_index[1]
    n_acc = ((n + 1 + NS * C - 1) // (NS * C)) * (NS * C)
    if EP != E:
        pad = EP - E
        src = jnp.concatenate([src, jnp.zeros((pad,), jnp.int32)])
        dpad = n + jnp.arange(pad, dtype=jnp.int32) % (n_acc - n)
        dst = jnp.concatenate([dst, dpad])

    blk = 1000 if n % 1000 == 0 else n

    wl1p = jnp.concatenate([Wl1.T, jnp.zeros((din, W - d1), jnp.float32)], 1)
    wl2p = jnp.concatenate([Wl2.T, jnp.zeros((d1, W - d2), jnp.float32)], 1)

    tblA, z1 = _tc1(x, wl1p, Wr1.T, blk, n_acc)
    sc = _make_sc_pass(n_acc, cpw)
    segA = sc(tblA, src, dst)
    tblB, z2 = _tc2(segA, z1, bl1.reshape(1, d1), wl2p, Wr2.T, blk, n_acc)
    segB = sc(tblB, src, dst)
    out = _tc3(segA, segB, z2, bl2.reshape(1, d2), Wa.reshape(1, d2),
               ba.reshape(1, 1), blk)
    return out.reshape(n, 2, 2)

# --- scband reference (transcript-rebuilt; emitter-appended) ---
"""Pipeline reference for scband-inductive-bundle-map-learner-51049981280276 (READ-ONLY COPY).

The authoritative reference and input builder live on the scoring server;
editing this copy changes nothing except your own understanding.
"""

import jax, jax.numpy as jnp
import numpy as np


def _sage(x, edge_index, Wl, bl, Wr):
    # PyG SAGEConv (aggr='mean', root_weight=True, normalize=False):
    # out = lin_l(mean_{j in N(i)} x_j) + lin_r(x_i); lin_l has bias, lin_r does not.
    src = edge_index[0]
    dst = edge_index[1]
    n = x.shape[0]
    msgs = jnp.take(x, src, axis=0)
    agg_sum = jax.ops.segment_sum(msgs, dst, num_segments=n)
    cnt = jax.ops.segment_sum(jnp.ones(src.shape[0], dtype=x.dtype), dst, num_segments=n)
    agg = agg_sum / jnp.clip(cnt, 1.0, None)[:, None]
    return agg @ Wl.T + bl + x @ Wr.T


def setup_inputs(seed: int = 0) -> dict:
    key = jax.random.key(seed)
    ks = jax.random.split(key, 10)
    n, din = 10000, 128
    E = 320000
    x = jax.random.normal(ks[0], (n, din), dtype=jnp.float32)
    edge_index = jax.random.randint(ks[1], (2, E), 0, n, dtype=jnp.int32)

    def lin(k, out_d, in_d):
        lim = 1.0 / np.sqrt(in_d)
        return jax.random.uniform(k, (out_d, in_d), minval=-lim, maxval=lim, dtype=jnp.float32)

    Wl1 = lin(ks[2], 64, 128)
    Wr1 = lin(ks[3], 64, 128)
    bl1 = jnp.zeros((64,), dtype=jnp.float32)
    Wl2 = lin(ks[4], 32, 64)
    Wr2 = lin(ks[5], 32, 64)
    bl2 = jnp.zeros((32,), dtype=jnp.float32)
    Wa = lin(ks[6], 1, 32)
    ba = jnp.zeros((1,), dtype=jnp.float32)
    return {"x": x, "Wl1": Wl1, "bl1": bl1, "Wr1": Wr1, "Wl2": Wl2, "bl2": bl2, "Wr2": Wr2, "Wa": Wa, "ba": ba, "edge_index": edge_index}


def reference(x, Wl1, bl1, Wr1, Wl2, bl2, Wr2, Wa, ba, edge_index):
    h = jax.nn.relu(_sage(x, edge_index, Wl1, bl1, Wr1))
    h = jax.nn.relu(_sage(h, edge_index, Wl2, bl2, Wr2))
    angles = (h @ Wa.T + ba)[:, 0]
    c = jnp.cos(angles)
    s = jnp.sin(angles)
    row0 = jnp.stack([c, -s], axis=-1)
    row1 = jnp.stack([s, c], axis=-1)
    O_maps = jnp.stack([row0, row1], axis=1)  # [n, 2, 2]
    return O_maps

if __name__ == "__main__":
    import jax
    _d = setup_inputs()
    print(jax.jit(kernel)(*tuple(_d.values())))

</pallas_src>

<mosaic_0001>
#map = affine_map<(d0, d1) -> (0, 0)>
#map1 = affine_map<(d0, d1) -> (0)>
#map2 = affine_map<(d0, d1) -> (0, 0, 0)>
module attributes {stable_mosaic.version = 14 : i64} {
  func.func @body(%arg0: i32, %arg1: i32, %arg2: memref<10240x128xf32, #tpu.memory_space<hbm>>, %arg3: memref<323584xi32, #tpu.memory_space<hbm>>, %arg4: memref<323584xi32, #tpu.memory_space<hbm>>, %arg5: memref<2x10240x128xf32, #tpu.memory_space<hbm>>, %arg6: memref<128xi32, #tpu.memory_space<vmem>>, %arg7: memref<128xi32, #tpu.memory_space<vmem>>, %arg8: memref<128x128xf32, #tpu.memory_space<vmem>>, %arg9: memref<128x128xf32, #tpu.memory_space<vmem>>, %arg10: memref<10240x128xf32, #tpu.memory_space<vmem_shared>>, %arg11: memref<!tpu.dma_semaphore, #tpu.memory_space<semaphore_mem>>) attributes {dimension_semantics = [#tpu.dimension_semantics<core_parallel>, #tpu.dimension_semantics<subcore_parallel>], iteration_bounds = array<i64: 2, 16>, scalar_prefetch = 0 : i64, scratch_operands = 6 : i64, tpu.core_type = #tpu.core_type<sc_vector_subcore>, window_params = [{transform_indices = #map}, {transform_indices = #map1}, {transform_indices = #map1}, {transform_indices = #map2}]} {
    %mul3A = arith.constant 2 : i32
    %mul3A_0 = arith.muli %arg1, %mul3A : i32
    %add3A = arith.addi %mul3A_0, %arg0 : i32
    %mul3A_1 = arith.constant 79 : i32
    %mul3A_2 = arith.muli %add3A, %mul3A_1 : i32
    %broadcast_in_dim3A = arith.constant 0.000000e+00 : f32
    %broadcast_in_dim3A_3 = vector.broadcast %broadcast_in_dim3A : f32 to vector<16xf32>
    %scan3A = arith.constant 0 : i32
    %scan3A_4 = arith.constant 0 : i32
    %scan3A_5 = arith.constant 128 : i32
    %scan3A_6 = arith.addi %scan3A_4, %scan3A_5 : i32
    %scan3A_7 = arith.constant 1 : i32
    %scan3A_8 = scf.for %scan3A_40 = %scan3A_4 to %scan3A_6 step %scan3A_7 iter_args(%scan3A_41 = %scan3A) -> (i32)  : i32 {
      %swap3A = arith.index_cast %scan3A_40 : i32 to index
      %swap3A_42 = arith.constant 0 : index
      %swap3A_43 = tpu.vector_load %arg8[%swap3A, %swap3A_42] {strides = array<i32>} : memref<128x128xf32, #tpu.memory_space<vmem>>, vector<1x16xf32>,
      %swap3A_44 = vector.shape_cast %swap3A_43 : vector<1x16xf32> to vector<16xf32>
      %swap3A_45 = vector.shape_cast %broadcast_in_dim3A_3 : vector<16xf32> to vector<1x16xf32>
      tpu.vector_store %arg8[%swap3A, %swap3A_42], %swap3A_45 {strides = array<i32>} : memref<128x128xf32, #tpu.memory_space<vmem>>, vector<1x16xf32>,
      %swap3A_46 = arith.index_cast %scan3A_40 : i32 to index
      %swap3A_47 = arith.constant 16 : index
      %swap3A_48 = tpu.vector_load %arg8[%swap3A_46, %swap3A_47] {strides = array<i32>} : memref<128x128xf32, #tpu.memory_space<vmem>>, vector<1x16xf32>,
      %swap3A_49 = vector.shape_cast %swap3A_48 : vector<1x16xf32> to vector<16xf32>
      %swap3A_50 = vector.shape_cast %broadcast_in_dim3A_3 : vector<16xf32> to vector<1x16xf32>
      tpu.vector_store %arg8[%swap3A_46, %swap3A_47], %swap3A_50 {strides = array<i32>} : memref<128x128xf32, #tpu.memory_space<vmem>>, vector<1x16xf32>,
      %swap3A_51 = arith.index_cast %scan3A_40 : i32 to index
      %swap3A_52 = arith.constant 32 : index
      %swap3A_53 = tpu.vector_load %arg8[%swap3A_51, %swap3A_52] {strides = array<i32>} : memref<128x128xf32, #tpu.memory_space<vmem>>, vector<1x16xf32>,
      %swap3A_54 = vector.shape_cast %swap3A_53 : vector<1x16xf32> to vector<16xf32>
      %swap3A_55 = vector.shape_cast %broadcast_in_dim3A_3 : vector<16xf32> to vector<1x16xf32>
      tpu.vector_store %arg8[%swap3A_51, %swap3A_52], %swap3A_55 {strides = array<i32>} : memref<128x128xf32, #tpu.memory_space<vmem>>, vector<1x16xf32>,
      %swap3A_56 = arith.index_cast %scan3A_40 : i32 to index
      %swap3A_57 = arith.constant 48 : index
      %swap3A_58 = tpu.vector_load %arg8[%swap3A_56, %swap3A_57] {strides = array<i32>} : memref<128x128xf32, #tpu.memory_space<vmem>>, vector<1x16xf32>,
      %swap3A_59 = vector.shape_cast %swap3A_58 : vector<1x16xf32> to vector<16xf32>
      %swap3A_60 = vector.shape_cast %broadcast_in_dim3A_3 : vector<16xf32> to vector<1x16xf32>
      tpu.vector_store %arg8[%swap3A_56, %swap3A_57], %swap3A_60 {strides = array<i32>} : memref<128x128xf32, #tpu.memory_space<vmem>>, vector<1x16xf32>,
      %swap3A_61 = arith.index_cast %scan3A_40 : i32 to index
      %swap3A_62 = arith.constant 64 : index
      %swap3A_63 = tpu.vector_load %arg8[%swap3A_61, %swap3A_62] {strides = array<i32>} : memref<128x128xf32, #tpu.memory_space<vmem>>, vector<1x16xf32>,
      %swap3A_64 = vector.shape_cast %swap3A_63 : vector<1x16xf32> to vector<16xf32>
      %swap3A_65 = vector.shape_cast %broadcast_in_dim3A_3 : vector<16xf32> to vector<1x16xf32>
      tpu.vector_store %arg8[%swap3A_61, %swap3A_62], %swap3A_65 {strides = array<i32>} : memref<128x128xf32, #tpu.memory_space<vmem>>, vector<1x16xf32>,
      %swap3A_66 = arith.index_cast %scan3A_40 : i32 to index
      %swap3A_67 = arith.constant 80 : index
      %swap3A_68 = tpu.vector_load %arg8[%swap3A_66, %swap3A_67] {strides = array<i32>} : memref<128x128xf32, #tpu.memory_space<vmem>>, vector<1x16xf32>,
      %swap3A_69 = vector.shape_cast %swap3A_68 : vector<1x16xf32> to vector<16xf32>
      %swap3A_70 = vector.shape_cast %broadcast_in_dim3A_3 : vector<16xf32> to vector<1x16xf32>
      tpu.vector_store %arg8[%swap3A_66, %swap3A_67], %swap3A_70 {strides = array<i32>} : memref<128x128xf32, #tpu.memory_space<vmem>>, vector<1x16xf32>,
      %swap3A_71 = arith.index_cast %scan3A_40 : i32 to index
      %swap3A_72 = arith.constant 96 : index
      %swap3A_73 = tpu.vector_load %arg8[%swap3A_71, %swap3A_72] {strides = array<i32>} : memref<128x128xf32, #tpu.memory_space<vmem>>, vector<1x16xf32>,
      %swap3A_74 = vector.shape_cast %swap3A_73 : vector<1x16xf32> to vector<16xf32>
      %swap3A_75 = vector.shape_cast %broadcast_in_dim3A_3 : vector<16xf32> to vector<1x16xf32>
      tpu.vector_store %arg8[%swap3A_71, %swap3A_72], %swap3A_75 {strides = array<i32>} : memref<128x128xf32, #tpu.memory_space<vmem>>, vector<1x16xf32>,
      %swap3A_76 = arith.index_cast %scan3A_40 : i32 to index
      %swap3A_77 = arith.constant 112 : index
      %swap3A_78 = tpu.vector_load %arg8[%swap3A_76, %swap3A_77] {strides = array<i32>} : memref<128x128xf32, #tpu.memory_space<vmem>>, vector<1x16xf32>,
      %swap3A_79 = vector.shape_cast %swap3A_78 : vector<1x16xf32> to vector<16xf32>
      %swap3A_80 = vector.shape_cast %broadcast_in_dim3A_3 : vector<16xf32> to vector<1x16xf32>
      tpu.vector_store %arg8[%swap3A_76, %swap3A_77], %swap3A_80 {strides = array<i32>} : memref<128x128xf32, #tpu.memory_space<vmem>>, vector<1x16xf32>,
      %scan3A_81 = arith.constant 0 : i32
      scf.yield %scan3A_81 : i32
    }
    %scan3A_9 = arith.constant 128 : i32
    %mul3A_10 = arith.constant 640 : i32
    %mul3A_11 = arith.muli %arg1, %mul3A_10 : i32
    %add3A_12 = arith.constant 0 : i32
    %add3A_13 = arith.addi %mul3A_11, %add3A_12 : i32
    "tpu.region"() ({
      %run_scoped3A = tpu.sem_alloc : memref<!tpu.dma_semaphore, #tpu.memory_space<semaphore_mem>>
      %dma_start3A = arith.constant 0 : i32
      %dma_start3A_40 = tpu.memref_slice %arg10[%add3A_13, %dma_start3A] : memref<10240x128xf32, #tpu.memory_space<vmem_shared>> -> memref<128x128xf32, #tpu.memory_space<vmem_shared>>
      %dma_start3A_41 = arith.constant 0 : i32
      %dma_start3A_42 = tpu.memref_slice %arg10[%add3A_13, %dma_start3A_41] : memref<10240x128xf32, #tpu.memory_space<vmem_shared>> -> memref<128x128xf32, #tpu.memory_space<vmem_shared>>
      tpu.enqueue_dma source(%arg8 : memref<128x128xf32, #tpu.memory_space<vmem>>) target(%dma_start3A_42 : memref<128x128xf32, #tpu.memory_space<vmem_shared>>) target_semaphore(%run_scoped3A : memref<!tpu.dma_semaphore, #tpu.memory_space<semaphore_mem>>)
      %dma_wait3A = arith.constant 0 : i32
      %dma_wait3A_43 = tpu.memref_slice %arg10[%add3A_13, %dma_wait3A] : memref<10240x128xf32, #tpu.memory_space<vmem_shared>> -> memref<128x128xf32, #tpu.memory_space<vmem_shared>>
      %dma_wait3A_44 = arith.constant 0 : i32
      %dma_wait3A_45 = tpu.memref_slice %arg10[%add3A_13, %dma_wait3A_44] : memref<10240x128xf32, #tpu.memory_space<vmem_shared>> -> memref<128x128xf32, #tpu.memory_space<vmem_shared>>
      tpu.wait_dma2 semaphore(%run_scoped3A : memref<!tpu.dma_semaphore, #tpu.memory_space<semaphore_mem>>) src(%arg8 : memref<128x128xf32, #tpu.memory_space<vmem>>) dst(%dma_wait3A_45 : memref<128x128xf32, #tpu.memory_space<vmem_shared>>)
      tpu.yield
    }) : () -> ()
    %mul3A_14 = arith.constant 640 : i32
    %mul3A_15 = arith.muli %arg1, %mul3A_14 : i32
    %add3A_16 = arith.constant 128 : i32
    %add3A_17 = arith.addi %mul3A_15, %add3A_16 : i32
    "tpu.region"() ({
      %run_scoped3A = tpu.sem_alloc : memref<!tpu.dma_semaphore, #tpu.memory_space<semaphore_mem>>
      %dma_start3A = arith.constant 0 : i32
      %dma_start3A_40 = tpu.memref_slice %arg10[%add3A_17, %dma_start3A] : memref<10240x128xf32, #tpu.memory_space<vmem_shared>> -> memref<128x128xf32, #tpu.memory_space<vmem_shared>>
      %dma_start3A_41 = arith.constant 0 : i32
      %dma_start3A_42 = tpu.memref_slice %arg10[%add3A_17, %dma_start3A_41] : memref<10240x128xf32, #tpu.memory_space<vmem_shared>> -> memref<128x128xf32, #tpu.memory_space<vmem_shared>>
      tpu.enqueue_dma source(%arg8 : memref<128x128xf32, #tpu.memory_space<vmem>>) target(%dma_start3A_42 : memref<128x128xf32, #tpu.memory_space<vmem_shared>>) target_semaphore(%run_scoped3A : memref<!tpu.dma_semaphore, #tpu.memory_space<semaphore_mem>>)
      %dma_wait3A = arith.constant 0 : i32
      %dma_wait3A_43 = tpu.memref_slice %arg10[%add3A_17, %dma_wait3A] : memref<10240x128xf32, #tpu.memory_space<vmem_shared>> -> memref<128x128xf32, #tpu.memory_space<vmem_shared>>
      %dma_wait3A_44 = arith.constant 0 : i32
      %dma_wait3A_45 = tpu.memref_slice %arg10[%add3A_17, %dma_wait3A_44] : memref<10240x128xf32, #tpu.memory_space<vmem_shared>> -> memref<128x128xf32, #tpu.memory_space<vmem_shared>>
      tpu.wait_dma2 semaphore(%run_scoped3A : memref<!tpu.dma_semaphore, #tpu.memory_space<semaphore_mem>>) src(%arg8 : memref<128x128xf32, #tpu.memory_space<vmem>>) dst(%dma_wait3A_45 : memref<128x128xf32, #tpu.memory_space<vmem_shared>>)
      tpu.yield
    }) : () -> ()
    %mul3A_18 = arith.constant 640 : i32
    %mul3A_19 = arith.muli %arg1, %mul3A_18 : i32
    %add3A_20 = arith.constant 256 : i32
    %add3A_21 = arith.addi %mul3A_19, %add3A_20 : i32
    "tpu.region"() ({
      %run_scoped3A = tpu.sem_alloc : memref<!tpu.dma_semaphore, #tpu.memory_space<semaphore_mem>>
      %dma_start3A = arith.constant 0 : i32
      %dma_start3A_40 = tpu.memref_slice %arg10[%add3A_21, %dma_start3A] : memref<10240x128xf32, #tpu.memory_space<vmem_shared>> -> memref<128x128xf32, #tpu.memory_space<vmem_shared>>
      %dma_start3A_41 = arith.constant 0 : i32
      %dma_start3A_42 = tpu.memref_slice %arg10[%add3A_21, %dma_start3A_41] : memref<10240x128xf32, #tpu.memory_space<vmem_shared>> -> memref<128x128xf32, #tpu.memory_space<vmem_shared>>
      tpu.enqueue_dma source(%arg8 : memref<128x128xf32, #tpu.memory_space<vmem>>) target(%dma_start3A_42 : memref<128x128xf32, #tpu.memory_space<vmem_shared>>) target_semaphore(%run_scoped3A : memref<!tpu.dma_semaphore, #tpu.memory_space<semaphore_mem>>)
      %dma_wait3A = arith.constant 0 : i32
      %dma_wait3A_43 = tpu.memref_slice %arg10[%add3A_21, %dma_wait3A] : memref<10240x128xf32, #tpu.memory_space<vmem_shared>> -> memref<128x128xf32, #tpu.memory_space<vmem_shared>>
      %dma_wait3A_44 = arith.constant 0 : i32
      %dma_wait3A_45 = tpu.memref_slice %arg10[%add3A_21, %dma_wait3A_44] : memref<10240x128xf32, #tpu.memory_space<vmem_shared>> -> memref<128x128xf32, #tpu.memory_space<vmem_shared>>
      tpu.wait_dma2 semaphore(%run_scoped3A : memref<!tpu.dma_semaphore, #tpu.memory_space<semaphore_mem>>) src(%arg8 : memref<128x128xf32, #tpu.memory_space<vmem>>) dst(%dma_wait3A_45 : memref<128x128xf32, #tpu.memory_space<vmem_shared>>)
      tpu.yield
    }) : () -> ()
    %mul3A_22 = arith.constant 640 : i32
    %mul3A_23 = arith.muli %arg1, %mul3A_22 : i32
    %add3A_24 = arith.constant 384 : i32
    %add3A_25 = arith.addi %mul3A_23, %add3A_24 : i32
    "tpu.region"() ({
      %run_scoped3A = tpu.sem_alloc : memref<!tpu.dma_semaphore, #tpu.memory_space<semaphore_mem>>
      %dma_start3A = arith.constant 0 : i32
      %dma_start3A_40 = tpu.memref_slice %arg10[%add3A_25, %dma_start3A] : memref<10240x128xf32, #tpu.memory_space<vmem_shared>> -> memref<128x128xf32, #tpu.memory_space<vmem_shared>>
      %dma_start3A_41 = arith.constant 0 : i32
      %dma_start3A_42 = tpu.memref_slice %arg10[%add3A_25, %dma_start3A_41] : memref<10240x128xf32, #tpu.memory_space<vmem_shared>> -> memref<128x128xf32, #tpu.memory_space<vmem_shared>>
      tpu.enqueue_dma source(%arg8 : memref<128x128xf32, #tpu.memory_space<vmem>>) target(%dma_start3A_42 : memref<128x128xf32, #tpu.memory_space<vmem_shared>>) target_semaphore(%run_scoped3A : memref<!tpu.dma_semaphore, #tpu.memory_space<semaphore_mem>>)
      %dma_wait3A = arith.constant 0 : i32
      %dma_wait3A_43 = tpu.memref_slice %arg10[%add3A_25, %dma_wait3A] : memref<10240x128xf32, #tpu.memory_space<vmem_shared>> -> memref<128x128xf32, #tpu.memory_space<vmem_shared>>
      %dma_wait3A_44 = arith.constant 0 : i32
      %dma_wait3A_45 = tpu.memref_slice %arg10[%add3A_25, %dma_wait3A_44] : memref<10240x128xf32, #tpu.memory_space<vmem_shared>> -> memref<128x128xf32, #tpu.memory_space<vmem_shared>>
      tpu.wait_dma2 semaphore(%run_scoped3A : memref<!tpu.dma_semaphore, #tpu.memory_space<semaphore_mem>>) src(%arg8 : memref<128x128xf32, #tpu.memory_space<vmem>>) dst(%dma_wait3A_45 : memref<128x128xf32, #tpu.memory_space<vmem_shared>>)
      tpu.yield
    }) : () -> ()
    %mul3A_26 = arith.constant 640 : i32
    %mul3A_27 = arith.muli %arg1, %mul3A_26 : i32
    %add3A_28 = arith.constant 512 : i32
    %add3A_29 = arith.addi %mul3A_27, %add3A_28 : i32
    "tpu.region"() ({
      %run_scoped3A = tpu.sem_alloc : memref<!tpu.dma_semaphore, #tpu.memory_space<semaphore_mem>>
      %dma_start3A = arith.constant 0 : i32
      %dma_start3A_40 = tpu.memref_slice %arg10[%add3A_29, %dma_start3A] : memref<10240x128xf32, #tpu.memory_space<vmem_shared>> -> memref<128x128xf32, #tpu.memory_space<vmem_shared>>
      %dma_start3A_41 = arith.constant 0 : i32
      %dma_start3A_42 = tpu.memref_slice %arg10[%add3A_29, %dma_start3A_41] : memref<10240x128xf32, #tpu.memory_space<vmem_shared>> -> memref<128x128xf32, #tpu.memory_space<vmem_shared>>
      tpu.enqueue_dma source(%arg8 : memref<128x128xf32, #tpu.memory_space<vmem>>) target(%dma_start3A_42 : memref<128x128xf32, #tpu.memory_space<vmem_shared>>) target_semaphore(%run_scoped3A : memref<!tpu.dma_semaphore, #tpu.memory_space<semaphore_mem>>)
      %dma_wait3A = arith.constant 0 : i32
      %dma_wait3A_43 = tpu.memref_slice %arg10[%add3A_29, %dma_wait3A] : memref<10240x128xf32, #tpu.memory_space<vmem_shared>> -> memref<128x128xf32, #tpu.memory_space<vmem_shared>>
      %dma_wait3A_44 = arith.constant 0 : i32
      %dma_wait3A_45 = tpu.memref_slice %arg10[%add3A_29, %dma_wait3A_44] : memref<10240x128xf32, #tpu.memory_space<vmem_shared>> -> memref<128x128xf32, #tpu.memory_space<vmem_shared>>
      tpu.wait_dma2 semaphore(%run_scoped3A : memref<!tpu.dma_semaphore, #tpu.memory_space<semaphore_mem>>) src(%arg8 : memref<128x128xf32, #tpu.memory_space<vmem>>) dst(%dma_wait3A_45 : memref<128x128xf32, #tpu.memory_space<vmem_shared>>)
      tpu.yield
    }) : () -> ()
    %barrier3A = arith.constant 0 : index
    tpu.barrier barrier_id(%barrier3A)
    %scan3A_30 = arith.constant 0 : i32
    %scan3A_31 = arith.constant 0 : i32
    %scan3A_32 = arith.constant 79 : i32
    %scan3A_33 = arith.addi %scan3A_31, %scan3A_32 : i32
    %scan3A_34 = arith.constant 1 : i32
    %scan3A_35 = scf.for %scan3A_40 = %scan3A_31 to %scan3A_33 step %scan3A_34 iter_args(%scan3A_41 = %scan3A_30) -> (i32)  : i32 {
      %mul3A_42 = arith.constant 32 : i32
      %mul3A_43 = arith.muli %scan3A_40, %mul3A_42 : i32
      %add3A_44 = arith.addi %mul3A_43, %add3A : i32
      %mul3A_45 = arith.constant 128 : i32
      %mul3A_46 = arith.muli %add3A_44, %mul3A_45 : i32
      "tpu.region"() ({
        %run_scoped3A = tpu.sem_alloc : memref<!tpu.dma_semaphore, #tpu.memory_space<semaphore_mem>>
        %dma_start3A_52 = tpu.memref_slice %arg3[%mul3A_46] : memref<323584xi32, #tpu.memory_space<hbm>> -> memref<128xi32, #tpu.memory_space<hbm>>
        %dma_start3A_53 = tpu.memref_slice %arg3[%mul3A_46] : memref<323584xi32, #tpu.memory_space<hbm>> -> memref<128xi32, #tpu.memory_space<hbm>>
        tpu.enqueue_dma source(%dma_start3A_53 : memref<128xi32, #tpu.memory_space<hbm>>) target(%arg6 : memref<128xi32, #tpu.memory_space<vmem>>) target_semaphore(%run_scoped3A : memref<!tpu.dma_semaphore, #tpu.memory_space<semaphore_mem>>)
        %dma_wait3A_54 = tpu.memref_slice %arg3[%mul3A_46] : memref<323584xi32, #tpu.memory_space<hbm>> -> memref<128xi32, #tpu.memory_space<hbm>>
        %dma_wait3A_55 = tpu.memref_slice %arg3[%mul3A_46] : memref<323584xi32, #tpu.memory_space<hbm>> -> memref<128xi32, #tpu.memory_space<hbm>>
        tpu.wait_dma2 semaphore(%run_scoped3A : memref<!tpu.dma_semaphore, #tpu.memory_space<semaphore_mem>>) src(%dma_wait3A_55 : memref<128xi32, #tpu.memory_space<hbm>>) dst(%arg6 : memref<128xi32, #tpu.memory_space<vmem>>)
        tpu.yield
      }) : () -> ()
      "tpu.region"() ({
        %run_scoped3A = tpu.sem_alloc : memref<!tpu.dma_semaphore, #tpu.memory_space<semaphore_mem>>
        %dma_start3A_52 = tpu.memref_slice %arg4[%mul3A_46] : memref<323584xi32, #tpu.memory_space<hbm>> -> memref<128xi32, #tpu.memory_space<hbm>>
        %dma_start3A_53 = tpu.memref_slice %arg4[%mul3A_46] : memref<323584xi32, #tpu.memory_space<hbm>> -> memref<128xi32, #tpu.memory_space<hbm>>
        tpu.enqueue_dma source(%dma_start3A_53 : memref<128xi32, #tpu.memory_space<hbm>>) target(%arg7 : memref<128xi32, #tpu.memory_space<vmem>>) target_semaphore(%run_scoped3A : memref<!tpu.dma_semaphore, #tpu.memory_space<semaphore_mem>>)
        %dma_wait3A_54 = tpu.memref_slice %arg4[%mul3A_46] : memref<323584xi32, #tpu.memory_space<hbm>> -> memref<128xi32, #tpu.memory_space<hbm>>
        %dma_wait3A_55 = tpu.memref_slice %arg4[%mul3A_46] : memref<323584xi32, #tpu.memory_space<hbm>> -> memref<128xi32, #tpu.memory_space<hbm>>
        tpu.wait_dma2 semaphore(%run_scoped3A : memref<!tpu.dma_semaphore, #tpu.memory_space<semaphore_mem>>) src(%dma_wait3A_55 : memref<128xi32, #tpu.memory_space<hbm>>) dst(%arg7 : memref<128xi32, #tpu.memory_space<vmem>>)
        tpu.yield
      }) : () -> ()
      %dma_start3A = arith.constant 0 : i32
      %dma_start3A_47 = arith.constant 0 : i32
      %dma_start3A_48 = tpu.memref_slice %arg2[%dma_start3A, %dma_start3A_47] : memref<10240x128xf32, #tpu.memory_space<hbm>> -> memref<10240x128xf32, #tpu.memory_space<hbm>>
      tpu.enqueue_indirect_dma source(%dma_start3A_48 : memref<10240x128xf32, #tpu.memory_space<hbm>>) target(%arg8 : memref<128x128xf32, #tpu.memory_space<vmem>>) offsets(%arg6 : memref<128xi32, #tpu.memory_space<vmem>>) semaphore(%arg11 : memref<!tpu.dma_semaphore, #tpu.memory_space<semaphore_mem>>)
      %dma_wait3A = arith.constant 0 : i32
      %dma_wait3A_49 = arith.constant 0 : i32
      %dma_wait3A_50 = tpu.memref_slice %arg2[%dma_wait3A, %dma_wait3A_49] : memref<10240x128xf32, #tpu.memory_space<hbm>> -> memref<10240x128xf32, #tpu.memory_space<hbm>>
      tpu.wait_indirect_dma semaphore(%arg11 : memref<!tpu.dma_semaphore, #tpu.memory_space<semaphore_mem>>) src(%dma_wait3A_50 : memref<10240x128xf32, #tpu.memory_space<hbm>>) dst(%arg8 : memref<128x128xf32, #tpu.memory_space<vmem>>)
      "tpu.region"() ({
        %run_scoped3A = tpu.sem_alloc : memref<!tpu.dma_semaphore, #tpu.memory_space<semaphore_mem>>
        %dma_start3A_52 = arith.constant 0 : i32
        %dma_start3A_53 = arith.constant 0 : i32
        %dma_start3A_54 = tpu.memref_slice %arg10[%dma_start3A_52, %dma_start3A_53] : memref<10240x128xf32, #tpu.memory_space<vmem_shared>> -> memref<10240x128xf32, #tpu.memory_space<vmem_shared>>
        tpu.enqueue_indirect_dma source(%arg8 : memref<128x128xf32, #tpu.memory_space<vmem>>) target(%dma_start3A_54 : memref<10240x128xf32, #tpu.memory_space<vmem_shared>>) offsets(%arg7 : memref<128xi32, #tpu.memory_space<vmem>>) semaphore(%run_scoped3A : memref<!tpu.dma_semaphore, #tpu.memory_space<semaphore_mem>>) {add = true}
        %dma_wait3A_55 = arith.constant 0 : i32
        %dma_wait3A_56 = arith.constant 0 : i32
        %dma_wait3A_57 = tpu.memref_slice %arg10[%dma_wait3A_55, %dma_wait3A_56] : memref<10240x128xf32, #tpu.memory_space<vmem_shared>> -> memref<10240x128xf32, #tpu.memory_space<vmem_shared>>
        tpu.wait_indirect_dma semaphore(%run_scoped3A : memref<!tpu.dma_semaphore, #tpu.memory_space<semaphore_mem>>) src(%arg8 : memref<128x128xf32, #tpu.memory_space<vmem>>) dst(%dma_wait3A_57 : memref<10240x128xf32, #tpu.memory_space<vmem_shared>>)
        tpu.yield
      }) : () -> ()
      %scan3A_51 = arith.constant 0 : i32
      scf.yield %scan3A_51 : i32
    }
    %scan3A_36 = arith.constant 79 : i32
    %barrier3A_37 = arith.constant 0 : index
    tpu.barrier barrier_id(%barrier3A_37)
    %mul3A_38 = arith.constant 640 : i32
    %mul3A_39 = arith.muli %arg1, %mul3A_38 : i32
    "tpu.region"() ({
      %run_scoped3A = tpu.sem_alloc : memref<!tpu.dma_semaphore, #tpu.memory_space<semaphore_mem>>
      %dma_start3A = arith.constant 0 : i32
      %dma_start3A_40 = tpu.memref_slice %arg5[%arg0, %mul3A_39, %dma_start3A] : memref<2x10240x128xf32, #tpu.memory_space<hbm>> -> memref<1x640x128xf32, #tpu.memory_space<hbm>>
      %dma_start3A_41 = tpu.memref_squeeze %dma_start3A_40 : memref<1x640x128xf32, #tpu.memory_space<hbm>> -> memref<640x128xf32, #tpu.memory_space<hbm>>
      %dma_start3A_42 = arith.constant 0 : i32
      %dma_start3A_43 = tpu.memref_slice %arg10[%mul3A_39, %dma_start3A_42] : memref<10240x128xf32, #tpu.memory_space<vmem_shared>> -> memref<640x128xf32, #tpu.memory_space<vmem_shared>>
      tpu.enqueue_dma source(%dma_start3A_43 : memref<640x128xf32, #tpu.memory_space<vmem_shared>>) target(%dma_start3A_41 : memref<640x128xf32, #tpu.memory_space<hbm>>) target_semaphore(%run_scoped3A : memref<!tpu.dma_semaphore, #tpu.memory_space<semaphore_mem>>)
      %dma_wait3A = arith.constant 0 : i32
      %dma_wait3A_44 = tpu.memref_slice %arg5[%arg0, %mul3A_39, %dma_wait3A] : memref<2x10240x128xf32, #tpu.memory_space<hbm>> -> memref<1x640x128xf32, #tpu.memory_space<hbm>>
      %dma_wait3A_45 = tpu.memref_squeeze %dma_wait3A_44 : memref<1x640x128xf32, #tpu.memory_space<hbm>> -> memref<640x128xf32, #tpu.memory_space<hbm>>
      %dma_wait3A_46 = arith.constant 0 : i32
      %dma_wait3A_47 = tpu.memref_slice %arg10[%mul3A_39, %dma_wait3A_46] : memref<10240x128xf32, #tpu.memory_space<vmem_shared>> -> memref<640x128xf32, #tpu.memory_space<vmem_shared>>
      tpu.wait_dma2 semaphore(%run_scoped3A : memref<!tpu.dma_semaphore, #tpu.memory_space<semaphore_mem>>) src(%dma_wait3A_47 : memref<640x128xf32, #tpu.memory_space<vmem_shared>>) dst(%dma_wait3A_45 : memref<640x128xf32, #tpu.memory_space<hbm>>)
      tpu.yield
    }) : () -> ()
    return
  }
}

#map = affine_map<(d0, d1) -> (0, 0)>
#map1 = affine_map<(d0, d1) -> (0)>
#map2 = affine_map<(d0, d1) -> (0, 0, 0)>
module attributes {stable_mosaic.version = 14 : i64} {
  func.func @body(%arg0: i32, %arg1: i32, %arg2: memref<10240x128xf32, #tpu.memory_space<hbm>>, %arg3: memref<323584xi32, #tpu.memory_space<hbm>>, %arg4: memref<323584xi32, #tpu.memory_space<hbm>>, %arg5: memref<2x10240x128xf32, #tpu.memory_space<hbm>>, %arg6: memref<128xi32, #tpu.memory_space<vmem>>, %arg7: memref<128xi32, #tpu.memory_space<vmem>>, %arg8: memref<128x128xf32, #tpu.memory_space<vmem>>, %arg9: memref<128x128xf32, #tpu.memory_space<vmem>>, %arg10: memref<10240x128xf32, #tpu.memory_space<vmem_shared>>, %arg11: memref<!tpu.dma_semaphore, #tpu.memory_space<semaphore_mem>>) attributes {dimension_semantics = [#tpu.dimension_semantics<core_parallel>, #tpu.dimension_semantics<subcore_parallel>], iteration_bounds = array<i64: 2, 16>, scalar_prefetch = 0 : i64, scratch_operands = 6 : i64, tpu.core_type = #tpu.core_type<sc_vector_subcore>, window_params = [{transform_indices = #map}, {transform_indices = #map1}, {transform_indices = #map1}, {transform_indices = #map2}]} {
    %mul3A = arith.constant 2 : i32
    %mul3A_0 = arith.muli %arg1, %mul3A : i32
    %add3A = arith.addi %mul3A_0, %arg0 : i32
    %mul3A_1 = arith.constant 79 : i32
    %mul3A_2 = arith.muli %add3A, %mul3A_1 : i32
    %broadcast_in_dim3A = arith.constant 0.000000e+00 : f32
    %broadcast_in_dim3A_3 = vector.broadcast %broadcast_in_dim3A : f32 to vector<16xf32>
    %scan3A = arith.constant 0 : i32
    %scan3A_4 = arith.constant 0 : i32
    %scan3A_5 = arith.constant 128 : i32
    %scan3A_6 = arith.addi %scan3A_4, %scan3A_5 : i32
    %scan3A_7 = arith.constant 1 : i32
    %scan3A_8 = scf.for %scan3A_40 = %scan3A_4 to %scan3A_6 step %scan3A_7 iter_args(%scan3A_41 = %scan3A) -> (i32)  : i32 {
      %swap3A = arith.index_cast %scan3A_40 : i32 to index
      %swap3A_42 = arith.constant 0 : index
      %swap3A_43 = tpu.vector_load %arg8[%swap3A, %swap3A_42] {strides = array<i32>} : memref<128x128xf32, #tpu.memory_space<vmem>>, vector<1x16xf32>,
      %swap3A_44 = vector.shape_cast %swap3A_43 : vector<1x16xf32> to vector<16xf32>
      %swap3A_45 = vector.shape_cast %broadcast_in_dim3A_3 : vector<16xf32> to vector<1x16xf32>
      tpu.vector_store %arg8[%swap3A, %swap3A_42], %swap3A_45 {strides = array<i32>} : memref<128x128xf32, #tpu.memory_space<vmem>>, vector<1x16xf32>,
      %swap3A_46 = arith.index_cast %scan3A_40 : i32 to index
      %swap3A_47 = arith.constant 16 : index
      %swap3A_48 = tpu.vector_load %arg8[%swap3A_46, %swap3A_47] {strides = array<i32>} : memref<128x128xf32, #tpu.memory_space<vmem>>, vector<1x16xf32>,
      %swap3A_49 = vector.shape_cast %swap3A_48 : vector<1x16xf32> to vector<16xf32>
      %swap3A_50 = vector.shape_cast %broadcast_in_dim3A_3 : vector<16xf32> to vector<1x16xf32>
      tpu.vector_store %arg8[%swap3A_46, %swap3A_47], %swap3A_50 {strides = array<i32>} : memref<128x128xf32, #tpu.memory_space<vmem>>, vector<1x16xf32>,
      %swap3A_51 = arith.index_cast %scan3A_40 : i32 to index
      %swap3A_52 = arith.constant 32 : index
      %swap3A_53 = tpu.vector_load %arg8[%swap3A_51, %swap3A_52] {strides = array<i32>} : memref<128x128xf32, #tpu.memory_space<vmem>>, vector<1x16xf32>,
      %swap3A_54 = vector.shape_cast %swap3A_53 : vector<1x16xf32> to vector<16xf32>
      %swap3A_55 = vector.shape_cast %broadcast_in_dim3A_3 : vector<16xf32> to vector<1x16xf32>
      tpu.vector_store %arg8[%swap3A_51, %swap3A_52], %swap3A_55 {strides = array<i32>} : memref<128x128xf32, #tpu.memory_space<vmem>>, vector<1x16xf32>,
      %swap3A_56 = arith.index_cast %scan3A_40 : i32 to index
      %swap3A_57 = arith.constant 48 : index
      %swap3A_58 = tpu.vector_load %arg8[%swap3A_56, %swap3A_57] {strides = array<i32>} : memref<128x128xf32, #tpu.memory_space<vmem>>, vector<1x16xf32>,
      %swap3A_59 = vector.shape_cast %swap3A_58 : vector<1x16xf32> to vector<16xf32>
      %swap3A_60 = vector.shape_cast %broadcast_in_dim3A_3 : vector<16xf32> to vector<1x16xf32>
      tpu.vector_store %arg8[%swap3A_56, %swap3A_57], %swap3A_60 {strides = array<i32>} : memref<128x128xf32, #tpu.memory_space<vmem>>, vector<1x16xf32>,
      %swap3A_61 = arith.index_cast %scan3A_40 : i32 to index
      %swap3A_62 = arith.constant 64 : index
      %swap3A_63 = tpu.vector_load %arg8[%swap3A_61, %swap3A_62] {strides = array<i32>} : memref<128x128xf32, #tpu.memory_space<vmem>>, vector<1x16xf32>,
      %swap3A_64 = vector.shape_cast %swap3A_63 : vector<1x16xf32> to vector<16xf32>
      %swap3A_65 = vector.shape_cast %broadcast_in_dim3A_3 : vector<16xf32> to vector<1x16xf32>
      tpu.vector_store %arg8[%swap3A_61, %swap3A_62], %swap3A_65 {strides = array<i32>} : memref<128x128xf32, #tpu.memory_space<vmem>>, vector<1x16xf32>,
      %swap3A_66 = arith.index_cast %scan3A_40 : i32 to index
      %swap3A_67 = arith.constant 80 : index
      %swap3A_68 = tpu.vector_load %arg8[%swap3A_66, %swap3A_67] {strides = array<i32>} : memref<128x128xf32, #tpu.memory_space<vmem>>, vector<1x16xf32>,
      %swap3A_69 = vector.shape_cast %swap3A_68 : vector<1x16xf32> to vector<16xf32>
      %swap3A_70 = vector.shape_cast %broadcast_in_dim3A_3 : vector<16xf32> to vector<1x16xf32>
      tpu.vector_store %arg8[%swap3A_66, %swap3A_67], %swap3A_70 {strides = array<i32>} : memref<128x128xf32, #tpu.memory_space<vmem>>, vector<1x16xf32>,
      %swap3A_71 = arith.index_cast %scan3A_40 : i32 to index
      %swap3A_72 = arith.constant 96 : index
      %swap3A_73 = tpu.vector_load %arg8[%swap3A_71, %swap3A_72] {strides = array<i32>} : memref<128x128xf32, #tpu.memory_space<vmem>>, vector<1x16xf32>,
      %swap3A_74 = vector.shape_cast %swap3A_73 : vector<1x16xf32> to vector<16xf32>
      %swap3A_75 = vector.shape_cast %broadcast_in_dim3A_3 : vector<16xf32> to vector<1x16xf32>
      tpu.vector_store %arg8[%swap3A_71, %swap3A_72], %swap3A_75 {strides = array<i32>} : memref<128x128xf32, #tpu.memory_space<vmem>>, vector<1x16xf32>,
      %swap3A_76 = arith.index_cast %scan3A_40 : i32 to index
      %swap3A_77 = arith.constant 112 : index
      %swap3A_78 = tpu.vector_load %arg8[%swap3A_76, %swap3A_77] {strides = array<i32>} : memref<128x128xf32, #tpu.memory_space<vmem>>, vector<1x16xf32>,
      %swap3A_79 = vector.shape_cast %swap3A_78 : vector<1x16xf32> to vector<16xf32>
      %swap3A_80 = vector.shape_cast %broadcast_in_dim3A_3 : vector<16xf32> to vector<1x16xf32>
      tpu.vector_store %arg8[%swap3A_76, %swap3A_77], %swap3A_80 {strides = array<i32>} : memref<128x128xf32, #tpu.memory_space<vmem>>, vector<1x16xf32>,
      %scan3A_81 = arith.constant 0 : i32
      scf.yield %scan3A_81 : i32
    }
    %scan3A_9 = arith.constant 128 : i32
    %mul3A_10 = arith.constant 640 : i32
    %mul3A_11 = arith.muli %arg1, %mul3A_10 : i32
    %add3A_12 = arith.constant 0 : i32
    %add3A_13 = arith.addi %mul3A_11, %add3A_12 : i32
    "tpu.region"() ({
      %run_scoped3A = tpu.sem_alloc : memref<!tpu.dma_semaphore, #tpu.memory_space<semaphore_mem>>
      %dma_start3A = arith.constant 0 : i32
      %dma_start3A_40 = tpu.memref_slice %arg10[%add3A_13, %dma_start3A] : memref<10240x128xf32, #tpu.memory_space<vmem_shared>> -> memref<128x128xf32, #tpu.memory_space<vmem_shared>>
      %dma_start3A_41 = arith.constant 0 : i32
      %dma_start3A_42 = tpu.memref_slice %arg10[%add3A_13, %dma_start3A_41] : memref<10240x128xf32, #tpu.memory_space<vmem_shared>> -> memref<128x128xf32, #tpu.memory_space<vmem_shared>>
      tpu.enqueue_dma source(%arg8 : memref<128x128xf32, #tpu.memory_space<vmem>>) target(%dma_start3A_42 : memref<128x128xf32, #tpu.memory_space<vmem_shared>>) target_semaphore(%run_scoped3A : memref<!tpu.dma_semaphore, #tpu.memory_space<semaphore_mem>>)
      %dma_wait3A = arith.constant 0 : i32
      %dma_wait3A_43 = tpu.memref_slice %arg10[%add3A_13, %dma_wait3A] : memref<10240x128xf32, #tpu.memory_space<vmem_shared>> -> memref<128x128xf32, #tpu.memory_space<vmem_shared>>
      %dma_wait3A_44 = arith.constant 0 : i32
      %dma_wait3A_45 = tpu.memref_slice %arg10[%add3A_13, %dma_wait3A_44] : memref<10240x128xf32, #tpu.memory_space<vmem_shared>> -> memref<128x128xf32, #tpu.memory_space<vmem_shared>>
      tpu.wait_dma2 semaphore(%run_scoped3A : memref<!tpu.dma_semaphore, #tpu.memory_space<semaphore_mem>>) src(%arg8 : memref<128x128xf32, #tpu.memory_space<vmem>>) dst(%dma_wait3A_45 : memref<128x128xf32, #tpu.memory_space<vmem_shared>>)
      tpu.yield
    }) : () -> ()
    %mul3A_14 = arith.constant 640 : i32
    %mul3A_15 = arith.muli %arg1, %mul3A_14 : i32
    %add3A_16 = arith.constant 128 : i32
    %add3A_17 = arith.addi %mul3A_15, %add3A_16 : i32
    "tpu.region"() ({
      %run_scoped3A = tpu.sem_alloc : memref<!tpu.dma_semaphore, #tpu.memory_space<semaphore_mem>>
      %dma_start3A = arith.constant 0 : i32
      %dma_start3A_40 = tpu.memref_slice %arg10[%add3A_17, %dma_start3A] : memref<10240x128xf32, #tpu.memory_space<vmem_shared>> -> memref<128x128xf32, #tpu.memory_space<vmem_shared>>
      %dma_start3A_41 = arith.constant 0 : i32
      %dma_start3A_42 = tpu.memref_slice %arg10[%add3A_17, %dma_start3A_41] : memref<10240x128xf32, #tpu.memory_space<vmem_shared>> -> memref<128x128xf32, #tpu.memory_space<vmem_shared>>
      tpu.enqueue_dma source(%arg8 : memref<128x128xf32, #tpu.memory_space<vmem>>) target(%dma_start3A_42 : memref<128x128xf32, #tpu.memory_space<vmem_shared>>) target_semaphore(%run_scoped3A : memref<!tpu.dma_semaphore, #tpu.memory_space<semaphore_mem>>)
      %dma_wait3A = arith.constant 0 : i32
      %dma_wait3A_43 = tpu.memref_slice %arg10[%add3A_17, %dma_wait3A] : memref<10240x128xf32, #tpu.memory_space<vmem_shared>> -> memref<128x128xf32, #tpu.memory_space<vmem_shared>>
      %dma_wait3A_44 = arith.constant 0 : i32
      %dma_wait3A_45 = tpu.memref_slice %arg10[%add3A_17, %dma_wait3A_44] : memref<10240x128xf32, #tpu.memory_space<vmem_shared>> -> memref<128x128xf32, #tpu.memory_space<vmem_shared>>
      tpu.wait_dma2 semaphore(%run_scoped3A : memref<!tpu.dma_semaphore, #tpu.memory_space<semaphore_mem>>) src(%arg8 : memref<128x128xf32, #tpu.memory_space<vmem>>) dst(%dma_wait3A_45 : memref<128x128xf32, #tpu.memory_space<vmem_shared>>)
      tpu.yield
    }) : () -> ()
    %mul3A_18 = arith.constant 640 : i32
    %mul3A_19 = arith.muli %arg1, %mul3A_18 : i32
    %add3A_20 = arith.constant 256 : i32
    %add3A_21 = arith.addi %mul3A_19, %add3A_20 : i32
    "tpu.region"() ({
      %run_scoped3A = tpu.sem_alloc : memref<!tpu.dma_semaphore, #tpu.memory_space<semaphore_mem>>
      %dma_start3A = arith.constant 0 : i32
      %dma_start3A_40 = tpu.memref_slice %arg10[%add3A_21, %dma_start3A] : memref<10240x128xf32, #tpu.memory_space<vmem_shared>> -> memref<128x128xf32, #tpu.memory_space<vmem_shared>>
      %dma_start3A_41 = arith.constant 0 : i32
      %dma_start3A_42 = tpu.memref_slice %arg10[%add3A_21, %dma_start3A_41] : memref<10240x128xf32, #tpu.memory_space<vmem_shared>> -> memref<128x128xf32, #tpu.memory_space<vmem_shared>>
      tpu.enqueue_dma source(%arg8 : memref<128x128xf32, #tpu.memory_space<vmem>>) target(%dma_start3A_42 : memref<128x128xf32, #tpu.memory_space<vmem_shared>>) target_semaphore(%run_scoped3A : memref<!tpu.dma_semaphore, #tpu.memory_space<semaphore_mem>>)
      %dma_wait3A = arith.constant 0 : i32
      %dma_wait3A_43 = tpu.memref_slice %arg10[%add3A_21, %dma_wait3A] : memref<10240x128xf32, #tpu.memory_space<vmem_shared>> -> memref<128x128xf32, #tpu.memory_space<vmem_shared>>
      %dma_wait3A_44 = arith.constant 0 : i32
      %dma_wait3A_45 = tpu.memref_slice %arg10[%add3A_21, %dma_wait3A_44] : memref<10240x128xf32, #tpu.memory_space<vmem_shared>> -> memref<128x128xf32, #tpu.memory_space<vmem_shared>>
      tpu.wait_dma2 semaphore(%run_scoped3A : memref<!tpu.dma_semaphore, #tpu.memory_space<semaphore_mem>>) src(%arg8 : memref<128x128xf32, #tpu.memory_space<vmem>>) dst(%dma_wait3A_45 : memref<128x128xf32, #tpu.memory_space<vmem_shared>>)
      tpu.yield
    }) : () -> ()
    %mul3A_22 = arith.constant 640 : i32
    %mul3A_23 = arith.muli %arg1, %mul3A_22 : i32
    %add3A_24 = arith.constant 384 : i32
    %add3A_25 = arith.addi %mul3A_23, %add3A_24 : i32
    "tpu.region"() ({
      %run_scoped3A = tpu.sem_alloc : memref<!tpu.dma_semaphore, #tpu.memory_space<semaphore_mem>>
      %dma_start3A = arith.constant 0 : i32
      %dma_start3A_40 = tpu.memref_slice %arg10[%add3A_25, %dma_start3A] : memref<10240x128xf32, #tpu.memory_space<vmem_shared>> -> memref<128x128xf32, #tpu.memory_space<vmem_shared>>
      %dma_start3A_41 = arith.constant 0 : i32
      %dma_start3A_42 = tpu.memref_slice %arg10[%add3A_25, %dma_start3A_41] : memref<10240x128xf32, #tpu.memory_space<vmem_shared>> -> memref<128x128xf32, #tpu.memory_space<vmem_shared>>
      tpu.enqueue_dma source(%arg8 : memref<128x128xf32, #tpu.memory_space<vmem>>) target(%dma_start3A_42 : memref<128x128xf32, #tpu.memory_space<vmem_shared>>) target_semaphore(%run_scoped3A : memref<!tpu.dma_semaphore, #tpu.memory_space<semaphore_mem>>)
      %dma_wait3A = arith.constant 0 : i32
      %dma_wait3A_43 = tpu.memref_slice %arg10[%add3A_25, %dma_wait3A] : memref<10240x128xf32, #tpu.memory_space<vmem_shared>> -> memref<128x128xf32, #tpu.memory_space<vmem_shared>>
      %dma_wait3A_44 = arith.constant 0 : i32
      %dma_wait3A_45 = tpu.memref_slice %arg10[%add3A_25, %dma_wait3A_44] : memref<10240x128xf32, #tpu.memory_space<vmem_shared>> -> memref<128x128xf32, #tpu.memory_space<vmem_shared>>
      tpu.wait_dma2 semaphore(%run_scoped3A : memref<!tpu.dma_semaphore, #tpu.memory_space<semaphore_mem>>) src(%arg8 : memref<128x128xf32, #tpu.memory_space<vmem>>) dst(%dma_wait3A_45 : memref<128x128xf32, #tpu.memory_space<vmem_shared>>)
      tpu.yield
    }) : () -> ()
    %mul3A_26 = arith.constant 640 : i32
    %mul3A_27 = arith.muli %arg1, %mul3A_26 : i32
    %add3A_28 = arith.constant 512 : i32
    %add3A_29 = arith.addi %mul3A_27, %add3A_28 : i32
    "tpu.region"() ({
      %run_scoped3A = tpu.sem_alloc : memref<!tpu.dma_semaphore, #tpu.memory_space<semaphore_mem>>
      %dma_start3A = arith.constant 0 : i32
      %dma_start3A_40 = tpu.memref_slice %arg10[%add3A_29, %dma_start3A] : memref<10240x128xf32, #tpu.memory_space<vmem_shared>> -> memref<128x128xf32, #tpu.memory_space<vmem_shared>>
      %dma_start3A_41 = arith.constant 0 : i32
      %dma_start3A_42 = tpu.memref_slice %arg10[%add3A_29, %dma_start3A_41] : memref<10240x128xf32, #tpu.memory_space<vmem_shared>> -> memref<128x128xf32, #tpu.memory_space<vmem_shared>>
      tpu.enqueue_dma source(%arg8 : memref<128x128xf32, #tpu.memory_space<vmem>>) target(%dma_start3A_42 : memref<128x128xf32, #tpu.memory_space<vmem_shared>>) target_semaphore(%run_scoped3A : memref<!tpu.dma_semaphore, #tpu.memory_space<semaphore_mem>>)
      %dma_wait3A = arith.constant 0 : i32
      %dma_wait3A_43 = tpu.memref_slice %arg10[%add3A_29, %dma_wait3A] : memref<10240x128xf32, #tpu.memory_space<vmem_shared>> -> memref<128x128xf32, #tpu.memory_space<vmem_shared>>
      %dma_wait3A_44 = arith.constant 0 : i32
      %dma_wait3A_45 = tpu.memref_slice %arg10[%add3A_29, %dma_wait3A_44] : memref<10240x128xf32, #tpu.memory_space<vmem_shared>> -> memref<128x128xf32, #tpu.memory_space<vmem_shared>>
      tpu.wait_dma2 semaphore(%run_scoped3A : memref<!tpu.dma_semaphore, #tpu.memory_space<semaphore_mem>>) src(%arg8 : memref<128x128xf32, #tpu.memory_space<vmem>>) dst(%dma_wait3A_45 : memref<128x128xf32, #tpu.memory_space<vmem_shared>>)
      tpu.yield
    }) : () -> ()
    %barrier3A = arith.constant 0 : index
    tpu.barrier barrier_id(%barrier3A)
    %scan3A_30 = arith.constant 0 : i32
    %scan3A_31 = arith.constant 0 : i32
    %scan3A_32 = arith.constant 79 : i32
    %scan3A_33 = arith.addi %scan3A_31, %scan3A_32 : i32
    %scan3A_34 = arith.constant 1 : i32
    %scan3A_35 = scf.for %scan3A_40 = %scan3A_31 to %scan3A_33 step %scan3A_34 iter_args(%scan3A_41 = %scan3A_30) -> (i32)  : i32 {
      %mul3A_42 = arith.constant 32 : i32
      %mul3A_43 = arith.muli %scan3A_40, %mul3A_42 : i32
      %add3A_44 = arith.addi %mul3A_43, %add3A : i32
      %mul3A_45 = arith.constant 128 : i32
      %mul3A_46 = arith.muli %add3A_44, %mul3A_45 : i32
      "tpu.region"() ({
        %run_scoped3A = tpu.sem_alloc : memref<!tpu.dma_semaphore, #tpu.memory_space<semaphore_mem>>
        %dma_start3A_52 = tpu.memref_slice %arg3[%mul3A_46] : memref<323584xi32, #tpu.memory_space<hbm>> -> memref<128xi32, #tpu.memory_space<hbm>>
        %dma_start3A_53 = tpu.memref_slice %arg3[%mul3A_46] : memref<323584xi32, #tpu.memory_space<hbm>> -> memref<128xi32, #tpu.memory_space<hbm>>
        tpu.enqueue_dma source(%dma_start3A_53 : memref<128xi32, #tpu.memory_space<hbm>>) target(%arg6 : memref<128xi32, #tpu.memory_space<vmem>>) target_semaphore(%run_scoped3A : memref<!tpu.dma_semaphore, #tpu.memory_space<semaphore_mem>>)
        %dma_wait3A_54 = tpu.memref_slice %arg3[%mul3A_46] : memref<323584xi32, #tpu.memory_space<hbm>> -> memref<128xi32, #tpu.memory_space<hbm>>
        %dma_wait3A_55 = tpu.memref_slice %arg3[%mul3A_46] : memref<323584xi32, #tpu.memory_space<hbm>> -> memref<128xi32, #tpu.memory_space<hbm>>
        tpu.wait_dma2 semaphore(%run_scoped3A : memref<!tpu.dma_semaphore, #tpu.memory_space<semaphore_mem>>) src(%dma_wait3A_55 : memref<128xi32, #tpu.memory_space<hbm>>) dst(%arg6 : memref<128xi32, #tpu.memory_space<vmem>>)
        tpu.yield
      }) : () -> ()
      "tpu.region"() ({
        %run_scoped3A = tpu.sem_alloc : memref<!tpu.dma_semaphore, #tpu.memory_space<semaphore_mem>>
        %dma_start3A_52 = tpu.memref_slice %arg4[%mul3A_46] : memref<323584xi32, #tpu.memory_space<hbm>> -> memref<128xi32, #tpu.memory_space<hbm>>
        %dma_start3A_53 = tpu.memref_slice %arg4[%mul3A_46] : memref<323584xi32, #tpu.memory_space<hbm>> -> memref<128xi32, #tpu.memory_space<hbm>>
        tpu.enqueue_dma source(%dma_start3A_53 : memref<128xi32, #tpu.memory_space<hbm>>) target(%arg7 : memref<128xi32, #tpu.memory_space<vmem>>) target_semaphore(%run_scoped3A : memref<!tpu.dma_semaphore, #tpu.memory_space<semaphore_mem>>)
        %dma_wait3A_54 = tpu.memref_slice %arg4[%mul3A_46] : memref<323584xi32, #tpu.memory_space<hbm>> -> memref<128xi32, #tpu.memory_space<hbm>>
        %dma_wait3A_55 = tpu.memref_slice %arg4[%mul3A_46] : memref<323584xi32, #tpu.memory_space<hbm>> -> memref<128xi32, #tpu.memory_space<hbm>>
        tpu.wait_dma2 semaphore(%run_scoped3A : memref<!tpu.dma_semaphore, #tpu.memory_space<semaphore_mem>>) src(%dma_wait3A_55 : memref<128xi32, #tpu.memory_space<hbm>>) dst(%arg7 : memref<128xi32, #tpu.memory_space<vmem>>)
        tpu.yield
      }) : () -> ()
      %dma_start3A = arith.constant 0 : i32
      %dma_start3A_47 = arith.constant 0 : i32
      %dma_start3A_48 = tpu.memref_slice %arg2[%dma_start3A, %dma_start3A_47] : memref<10240x128xf32, #tpu.memory_space<hbm>> -> memref<10240x128xf32, #tpu.memory_space<hbm>>
      tpu.enqueue_indirect_dma source(%dma_start3A_48 : memref<10240x128xf32, #tpu.memory_space<hbm>>) target(%arg8 : memref<128x128xf32, #tpu.memory_space<vmem>>) offsets(%arg6 : memref<128xi32, #tpu.memory_space<vmem>>) semaphore(%arg11 : memref<!tpu.dma_semaphore, #tpu.memory_space<semaphore_mem>>)
      %dma_wait3A = arith.constant 0 : i32
      %dma_wait3A_49 = arith.constant 0 : i32
      %dma_wait3A_50 = tpu.memref_slice %arg2[%dma_wait3A, %dma_wait3A_49] : memref<10240x128xf32, #tpu.memory_space<hbm>> -> memref<10240x128xf32, #tpu.memory_space<hbm>>
      tpu.wait_indirect_dma semaphore(%arg11 : memref<!tpu.dma_semaphore, #tpu.memory_space<semaphore_mem>>) src(%dma_wait3A_50 : memref<10240x128xf32, #tpu.memory_space<hbm>>) dst(%arg8 : memref<128x128xf32, #tpu.memory_space<vmem>>)
      "tpu.region"() ({
        %run_scoped3A = tpu.sem_alloc : memref<!tpu.dma_semaphore, #tpu.memory_space<semaphore_mem>>
        %dma_start3A_52 = arith.constant 0 : i32
        %dma_start3A_53 = arith.constant 0 : i32
        %dma_start3A_54 = tpu.memref_slice %arg10[%dma_start3A_52, %dma_start3A_53] : memref<10240x128xf32, #tpu.memory_space<vmem_shared>> -> memref<10240x128xf32, #tpu.memory_space<vmem_shared>>
        tpu.enqueue_indirect_dma source(%arg8 : memref<128x128xf32, #tpu.memory_space<vmem>>) target(%dma_start3A_54 : memref<10240x128xf32, #tpu.memory_space<vmem_shared>>) offsets(%arg7 : memref<128xi32, #tpu.memory_space<vmem>>) semaphore(%run_scoped3A : memref<!tpu.dma_semaphore, #tpu.memory_space<semaphore_mem>>) {add = true}
        %dma_wait3A_55 = arith.constant 0 : i32
        %dma_wait3A_56 = arith.constant 0 : i32
        %dma_wait3A_57 = tpu.memref_slice %arg10[%dma_wait3A_55, %dma_wait3A_56] : memref<10240x128xf32, #tpu.memory_space<vmem_shared>> -> memref<10240x128xf32, #tpu.memory_space<vmem_shared>>
        tpu.wait_indirect_dma semaphore(%run_scoped3A : memref<!tpu.dma_semaphore, #tpu.memory_space<semaphore_mem>>) src(%arg8 : memref<128x128xf32, #tpu.memory_space<vmem>>) dst(%dma_wait3A_57 : memref<10240x128xf32, #tpu.memory_space<vmem_shared>>)
        tpu.yield
      }) : () -> ()
      %scan3A_51 = arith.constant 0 : i32
      scf.yield %scan3A_51 : i32
    }
    %scan3A_36 = arith.constant 79 : i32
    %barrier3A_37 = arith.constant 0 : index
    tpu.barrier barrier_id(%barrier3A_37)
    %mul3A_38 = arith.constant 640 : i32
    %mul3A_39 = arith.muli %arg1, %mul3A_38 : i32
    "tpu.region"() ({
      %run_scoped3A = tpu.sem_alloc : memref<!tpu.dma_semaphore, #tpu.memory_space<semaphore_mem>>
      %dma_start3A = arith.constant 0 : i32
      %dma_start3A_40 = tpu.memref_slice %arg5[%arg0, %mul3A_39, %dma_start3A] : memref<2x10240x128xf32, #tpu.memory_space<hbm>> -> memref<1x640x128xf32, #tpu.memory_space<hbm>>
      %dma_start3A_41 = tpu.memref_squeeze %dma_start3A_40 : memref<1x640x128xf32, #tpu.memory_space<hbm>> -> memref<640x128xf32, #tpu.memory_space<hbm>>
      %dma_start3A_42 = arith.constant 0 : i32
      %dma_start3A_43 = tpu.memref_slice %arg10[%mul3A_39, %dma_start3A_42] : memref<10240x128xf32, #tpu.memory_space<vmem_shared>> -> memref<640x128xf32, #tpu.memory_space<vmem_shared>>
      tpu.enqueue_dma source(%dma_start3A_43 : memref<640x128xf32, #tpu.memory_space<vmem_shared>>) target(%dma_start3A_41 : memref<640x128xf32, #tpu.memory_space<hbm>>) target_semaphore(%run_scoped3A : memref<!tpu.dma_semaphore, #tpu.memory_space<semaphore_mem>>)
      %dma_wait3A = arith.constant 0 : i32
      %dma_wait3A_44 = tpu.memref_slice %arg5[%arg0, %mul3A_39, %dma_wait3A] : memref<2x10240x128xf32, #tpu.memory_space<hbm>> -> memref<1x640x128xf32, #tpu.memory_space<hbm>>
      %dma_wait3A_45 = tpu.memref_squeeze %dma_wait3A_44 : memref<1x640x128xf32, #tpu.memory_space<hbm>> -> memref<640x128xf32, #tpu.memory_space<hbm>>
      %dma_wait3A_46 = arith.constant 0 : i32
      %dma_wait3A_47 = tpu.memref_slice %arg10[%mul3A_39, %dma_wait3A_46] : memref<10240x128xf32, #tpu.memory_space<vmem_shared>> -> memref<640x128xf32, #tpu.memory_space<vmem_shared>>
      tpu.wait_dma2 semaphore(%run_scoped3A : memref<!tpu.dma_semaphore, #tpu.memory_space<semaphore_mem>>) src(%dma_wait3A_47 : memref<640x128xf32, #tpu.memory_space<vmem_shared>>) dst(%dma_wait3A_45 : memref<640x128xf32, #tpu.memory_space<hbm>>)
      tpu.yield
    }) : () -> ()
    return
  }
}

module attributes {stable_mosaic.version = 14 : i64} {
  func.func @_tc1_body(%arg0: i32, %arg1: memref<1000x128xf32, #tpu.memory_space<vmem>>, %arg2: memref<128x128xf32, #tpu.memory_space<vmem>>, %arg3: memref<128x64xf32, #tpu.memory_space<vmem>>, %arg4: memref<1000x128xf32, #tpu.memory_space<vmem>>, %arg5: memref<1000x64xf32, #tpu.memory_space<vmem>>) attributes {dimension_semantics = [#tpu.dimension_semantics<arbitrary>], iteration_bounds = array<i64: 10>, scalar_prefetch = 0 : i64, scratch_operands = 0 : i64, tpu.core_type = #tpu.core_type<tc>, window_params = [{transform_indices = @transform_0, window_bounds = array<i64: 1000, 128>}, {pipeline_mode = #tpu.pipeline_mode<synchronous>, transform_indices = @transform_1, window_bounds = array<i64: 128, 128>}, {pipeline_mode = #tpu.pipeline_mode<synchronous>, transform_indices = @transform_2, window_bounds = array<i64: 128, 64>}, {transform_indices = @transform_3, window_bounds = array<i64: 1000, 128>}, {transform_indices = @transform_4, window_bounds = array<i64: 1000, 64>}]} {
    %get3A = arith.constant 0 : index
    %get3A_0 = arith.constant 0 : index
    %get3A_1 = vector.load %arg1[%get3A, %get3A_0] : memref<1000x128xf32, #tpu.memory_space<vmem>>, vector<1000x128xf32>
    %get3A_2 = arith.constant 0 : index
    %get3A_3 = arith.constant 0 : index
    %get3A_4 = vector.load %arg2[%get3A_2, %get3A_3] : memref<128x128xf32, #tpu.memory_space<vmem>>, vector<128x128xf32>
    %dot_general3A = arith.constant dense<0.000000e+00> : vector<1000x128xf32>
    %dot_general3A_5 = tpu.matmul %get3A_1, %get3A_4, %dot_general3A {dimension_numbers = #tpu.dot_dimension_numbers<[1], [0], [0], [1], [0, 0, 1, 1], [], []>, transpose_lhs_hint = false} : vector<1000x128xf32>, vector<128x128xf32>, vector<1000x128xf32> -> vector<1000x128xf32>
    %iota3A = tpu.iota {dimensions = array<i32: 1>} : vector<1000x128xi32>
    %eq3A = arith.constant 64 : i32
    %eq3A_6 = vector.broadcast %eq3A : i32 to vector<1000x128xi32>
    %eq3A_7 = arith.cmpi eq, %iota3A, %eq3A_6 : vector<1000x128xi32>
    %jit3A = arith.constant 1.000000e+00 : f32
    %jit3A_8 = arith.constant 0.000000e+00 : f32
    %broadcast_in_dim3A = vector.broadcast %jit3A : f32 to vector<1000x128xf32>
    %broadcast_in_dim3A_9 = vector.broadcast %jit3A_8 : f32 to vector<1000x128xf32>
    %select_n3A = arith.select %eq3A_7, %broadcast_in_dim3A, %broadcast_in_dim3A_9 : vector<1000x128xi1>, vector<1000x128xf32>
    %add3A = arith.addf %dot_general3A_5, %select_n3A : vector<1000x128xf32>
    %swap3A = arith.constant 0 : index
    %swap3A_10 = arith.constant 0 : index
    %swap3A_11 = vector.load %arg4[%swap3A, %swap3A_10] : memref<1000x128xf32, #tpu.memory_space<vmem>>, vector<1000x128xf32>
    tpu.vector_store %arg4[%swap3A, %swap3A_10], %add3A {strides = array<i32>} : memref<1000x128xf32, #tpu.memory_space<vmem>>, vector<1000x128xf32>,
    %get3A_12 = arith.constant 0 : index
    %get3A_13 = arith.constant 0 : index
    %get3A_14 = vector.load %arg3[%get3A_12, %get3A_13] : memref<128x64xf32, #tpu.memory_space<vmem>>, vector<128x64xf32>
    %dot_general3A_15 = arith.constant dense<0.000000e+00> : vector<1000x64xf32>
    %dot_general3A_16 = tpu.matmul %get3A_1, %get3A_14, %dot_general3A_15 {dimension_numbers = #tpu.dot_dimension_numbers<[1], [0], [0], [1], [0, 0, 1, 1], [], []>, transpose_lhs_hint = false} : vector<1000x128xf32>, vector<128x64xf32>, vector<1000x64xf32> -> vector<1000x64xf32>
    %swap3A_17 = arith.constant 0 : index
    %swap3A_18 = arith.constant 0 : index
    %swap3A_19 = vector.load %arg5[%swap3A_17, %swap3A_18] : memref<1000x64xf32, #tpu.memory_space<vmem>>, vector<1000x64xf32>
    tpu.vector_store %arg5[%swap3A_17, %swap3A_18], %dot_general3A_16 {strides = array<i32>} : memref<1000x64xf32, #tpu.memory_space<vmem>>, vector<1000x64xf32>,
    return
  }
  func.func @transform_0(%arg0: i32) -> (i32, i32) {
    %c0_i32 = arith.constant 0 : i32
    %c0_i32_0 = arith.constant 0 : i32
    return %arg0, %c0_i32 : i32, i32
  }
  func.func @transform_1(%arg0: i32) -> (i32, i32) {
    %c0_i32 = arith.constant 0 : i32
    %c0_i32_0 = arith.constant 0 : i32
    %c0_i32_1 = arith.constant 0 : i32
    return %c0_i32, %c0_i32_0 : i32, i32
  }
  func.func @transform_2(%arg0: i32) -> (i32, i32) {
    %c0_i32 = arith.constant 0 : i32
    %c0_i32_0 = arith.constant 0 : i32
    %c0_i32_1 = arith.constant 0 : i32
    return %c0_i32, %c0_i32_0 : i32, i32
  }
  func.func @transform_3(%arg0: i32) -> (i32, i32) {
    %c0_i32 = arith.constant 0 : i32
    %c0_i32_0 = arith.constant 0 : i32
    return %arg0, %c0_i32 : i32, i32
  }
  func.func @transform_4(%arg0: i32) -> (i32, i32) {
    %c0_i32 = arith.constant 0 : i32
    %c0_i32_0 = arith.constant 0 : i32
    return %arg0, %c0_i32 : i32, i32
  }
}

module attributes {stable_mosaic.version = 14 : i64} {
  func.func @_tc2_body(%arg0: i32, %arg1: memref<2x1000x128xf32, #tpu.memory_space<vmem>>, %arg2: memref<1000x64xf32, #tpu.memory_space<vmem>>, %arg3: memref<1x64xf32, #tpu.memory_space<vmem>>, %arg4: memref<64x128xf32, #tpu.memory_space<vmem>>, %arg5: memref<64x32xf32, #tpu.memory_space<vmem>>, %arg6: memref<1000x128xf32, #tpu.memory_space<vmem>>, %arg7: memref<1000x32xf32, #tpu.memory_space<vmem>>) attributes {dimension_semantics = [#tpu.dimension_semantics<arbitrary>], iteration_bounds = array<i64: 10>, scalar_prefetch = 0 : i64, scratch_operands = 0 : i64, tpu.core_type = #tpu.core_type<tc>, window_params = [{transform_indices = @transform_0, window_bounds = array<i64: 2, 1000, 128>}, {transform_indices = @transform_1, window_bounds = array<i64: 1000, 64>}, {pipeline_mode = #tpu.pipeline_mode<synchronous>, transform_indices = @transform_2, window_bounds = array<i64: 1, 64>}, {pipeline_mode = #tpu.pipeline_mode<synchronous>, transform_indices = @transform_3, window_bounds = array<i64: 64, 128>}, {pipeline_mode = #tpu.pipeline_mode<synchronous>, transform_indices = @transform_4, window_bounds = array<i64: 64, 32>}, {transform_indices = @transform_5, window_bounds = array<i64: 1000, 128>}, {transform_indices = @transform_6, window_bounds = array<i64: 1000, 32>}]} {
    %get3A = arith.constant 0 : index
    %get3A_0 = arith.constant 0 : index
    %get3A_1 = arith.constant 0 : index
    %get3A_2 = vector.load %arg1[%get3A, %get3A_0, %get3A_1] : memref<2x1000x128xf32, #tpu.memory_space<vmem>>, vector<1x1000x128xf32>
    %get3A_3 = vector.shape_cast %get3A_2 : vector<1x1000x128xf32> to vector<1000x128xf32>
    %get3A_4 = arith.constant 1 : index
    %get3A_5 = arith.constant 0 : index
    %get3A_6 = arith.constant 0 : index
    %get3A_7 = vector.load %arg1[%get3A_4, %get3A_5, %get3A_6] : memref<2x1000x128xf32, #tpu.memory_space<vmem>>, vector<1x1000x128xf32>
    %get3A_8 = vector.shape_cast %get3A_7 : vector<1x1000x128xf32> to vector<1000x128xf32>
    %add3A = arith.addf %get3A_3, %get3A_8 : vector<1000x128xf32>
    %slice3A = vector.extract_strided_slice %add3A {offsets = [0, 64], sizes = [1000, 64], strides = [1, 1]} : vector<1000x128xf32> to vector<1000x64xf32>
    %reduce_sum3A = arith.constant dense<0.000000e+00> : vector<1000xf32>
    %reduce_sum3A_9 = vector.multi_reduction <add>, %slice3A, %reduce_sum3A [1] : vector<1000x64xf32> to vector<1000xf32>
    %broadcast_in_dim3A = vector.shape_cast %reduce_sum3A_9 : vector<1000xf32> to vector<1000x1xf32>
    %max3A = arith.constant 1.000000e+00 : f32
    %max3A_10 = vector.broadcast %max3A : f32 to vector<1000x1xf32>
    %max3A_11 = arith.maximumf %broadcast_in_dim3A, %max3A_10 : vector<1000x1xf32>
    %div3A = arith.constant 1.000000e+00 : f32
    %div3A_12 = vector.broadcast %div3A : f32 to vector<1000x1xf32>
    %div3A_13 = arith.divf %div3A_12, %max3A_11 : vector<1000x1xf32>
    %slice3A_14 = vector.extract_strided_slice %add3A {offsets = [0, 0], sizes = [1000, 64], strides = [1, 1]} : vector<1000x128xf32> to vector<1000x64xf32>
    %mul3A = vector.broadcast %div3A_13 : vector<1000x1xf32> to vector<1000x64xf32>
    %mul3A_15 = arith.mulf %slice3A_14, %mul3A : vector<1000x64xf32>
    %get3A_16 = arith.constant 0 : index
    %get3A_17 = arith.constant 0 : index
    %get3A_18 = vector.load %arg3[%get3A_16, %get3A_17] : memref<1x64xf32, #tpu.memory_space<vmem>>, vector<1x64xf32>
    %add3A_19 = vector.broadcast %get3A_18 : vector<1x64xf32> to vector<1000x64xf32>
    %add3A_20 = arith.addf %mul3A_15, %add3A_19 : vector<1000x64xf32>
    %get3A_21 = arith.constant 0 : index
    %get3A_22 = arith.constant 0 : index
    %get3A_23 = vector.load %arg2[%get3A_21, %get3A_22] : memref<1000x64xf32, #tpu.memory_space<vmem>>, vector<1000x64xf32>
    %add3A_24 = arith.addf %add3A_20, %get3A_23 : vector<1000x64xf32>
    %max3A_25 = arith.constant 0.000000e+00 : f32
    %max3A_26 = vector.broadcast %max3A_25 : f32 to vector<1000x64xf32>
    %max3A_27 = arith.maximumf %add3A_24, %max3A_26 : vector<1000x64xf32>
    %get3A_28 = arith.constant 0 : index
    %get3A_29 = arith.constant 0 : index
    %get3A_30 = vector.load %arg4[%get3A_28, %get3A_29] : memref<64x128xf32, #tpu.memory_space<vmem>>, vector<64x128xf32>
    %dot_general3A = arith.constant dense<0.000000e+00> : vector<1000x128xf32>
    %dot_general3A_31 = tpu.matmul %max3A_27, %get3A_30, %dot_general3A {dimension_numbers = #tpu.dot_dimension_numbers<[1], [0], [0], [1], [0, 0, 1, 1], [], []>, transpose_lhs_hint = false} : vector<1000x64xf32>, vector<64x128xf32>, vector<1000x128xf32> -> vector<1000x128xf32>
    %swap3A = arith.constant 0 : index
    %swap3A_32 = arith.constant 0 : index
    %swap3A_33 = vector.load %arg6[%swap3A, %swap3A_32] : memref<1000x128xf32, #tpu.memory_space<vmem>>, vector<1000x128xf32>
    tpu.vector_store %arg6[%swap3A, %swap3A_32], %dot_general3A_31 {strides = array<i32>} : memref<1000x128xf32, #tpu.memory_space<vmem>>, vector<1000x128xf32>,
    %get3A_34 = arith.constant 0 : index
    %get3A_35 = arith.constant 0 : index
    %get3A_36 = vector.load %arg5[%get3A_34, %get3A_35] : memref<64x32xf32, #tpu.memory_space<vmem>>, vector<64x32xf32>
    %dot_general3A_37 = arith.constant dense<0.000000e+00> : vector<1000x32xf32>
    %dot_general3A_38 = tpu.matmul %max3A_27, %get3A_36, %dot_general3A_37 {dimension_numbers = #tpu.dot_dimension_numbers<[1], [0], [0], [1], [0, 0, 1, 1], [], []>, transpose_lhs_hint = false} : vector<1000x64xf32>, vector<64x32xf32>, vector<1000x32xf32> -> vector<1000x32xf32>
    %swap3A_39 = arith.constant 0 : index
    %swap3A_40 = arith.constant 0 : index
    %swap3A_41 = vector.load %arg7[%swap3A_39, %swap3A_40] : memref<1000x32xf32, #tpu.memory_space<vmem>>, vector<1000x32xf32>
    tpu.vector_store %arg7[%swap3A_39, %swap3A_40], %dot_general3A_38 {strides = array<i32>} : memref<1000x32xf32, #tpu.memory_space<vmem>>, vector<1000x32xf32>,
    return
  }
  func.func @transform_0(%arg0: i32) -> (i32, i32, i32) {
    %c0_i32 = arith.constant 0 : i32
    %c0_i32_0 = arith.constant 0 : i32
    %c0_i32_1 = arith.constant 0 : i32
    return %c0_i32, %arg0, %c0_i32_0 : i32, i32, i32
  }
  func.func @transform_1(%arg0: i32) -> (i32, i32) {
    %c0_i32 = arith.constant 0 : i32
    %c0_i32_0 = arith.constant 0 : i32
    return %arg0, %c0_i32 : i32, i32
  }
  func.func @transform_2(%arg0: i32) -> (i32, i32) {
    %c0_i32 = arith.constant 0 : i32
    %c0_i32_0 = arith.constant 0 : i32
    %c0_i32_1 = arith.constant 0 : i32
    return %c0_i32, %c0_i32_0 : i32, i32
  }
  func.func @transform_3(%arg0: i32) -> (i32, i32) {
    %c0_i32 = arith.constant 0 : i32
    %c0_i32_0 = arith.constant 0 : i32
    %c0_i32_1 = arith.constant 0 : i32
    return %c0_i32, %c0_i32_0 : i32, i32
  }
  func.func @transform_4(%arg0: i32) -> (i32, i32) {
    %c0_i32 = arith.constant 0 : i32
    %c0_i32_0 = arith.constant 0 : i32
    %c0_i32_1 = arith.constant 0 : i32
    return %c0_i32, %c0_i32_0 : i32, i32
  }
  func.func @transform_5(%arg0: i32) -> (i32, i32) {
    %c0_i32 = arith.constant 0 : i32
    %c0_i32_0 = arith.constant 0 : i32
    return %arg0, %c0_i32 : i32, i32
  }
  func.func @transform_6(%arg0: i32) -> (i32, i32) {
    %c0_i32 = arith.constant 0 : i32
    %c0_i32_0 = arith.constant 0 : i32
    return %arg0, %c0_i32 : i32, i32
  }
}

module attributes {stable_mosaic.version = 14 : i64} {
  func.func @_tc3_body(%arg0: i32, %arg1: memref<2x1000x128xf32, #tpu.memory_space<vmem>>, %arg2: memref<2x1000x128xf32, #tpu.memory_space<vmem>>, %arg3: memref<1000x32xf32, #tpu.memory_space<vmem>>, %arg4: memref<1x32xf32, #tpu.memory_space<vmem>>, %arg5: memref<1x32xf32, #tpu.memory_space<vmem>>, %arg6: memref<1x1xf32, #tpu.memory_space<vmem>>, %arg7: memref<1000x4xf32, #tpu.memory_space<vmem>>) attributes {dimension_semantics = [#tpu.dimension_semantics<arbitrary>], iteration_bounds = array<i64: 10>, scalar_prefetch = 0 : i64, scratch_operands = 0 : i64, tpu.core_type = #tpu.core_type<tc>, window_params = [{transform_indices = @transform_0, window_bounds = array<i64: 2, 1000, 128>}, {transform_indices = @transform_1, window_bounds = array<i64: 2, 1000, 128>}, {transform_indices = @transform_2, window_bounds = array<i64: 1000, 32>}, {pipeline_mode = #tpu.pipeline_mode<synchronous>, transform_indices = @transform_3, window_bounds = array<i64: 1, 32>}, {pipeline_mode = #tpu.pipeline_mode<synchronous>, transform_indices = @transform_4, window_bounds = array<i64: 1, 32>}, {pipeline_mode = #tpu.pipeline_mode<synchronous>, transform_indices = @transform_5, window_bounds = array<i64: 1, 1>}, {transform_indices = @transform_6, window_bounds = array<i64: 1000, 4>}]} {
    %get3A = arith.constant 0 : index
    %get3A_0 = arith.constant 0 : index
    %get3A_1 = arith.constant 0 : index
    %get3A_2 = vector.load %arg1[%get3A, %get3A_0, %get3A_1] : memref<2x1000x128xf32, #tpu.memory_space<vmem>>, vector<1x1000x128xf32>
    %get3A_3 = vector.shape_cast %get3A_2 : vector<1x1000x128xf32> to vector<1000x128xf32>
    %get3A_4 = arith.constant 1 : index
    %get3A_5 = arith.constant 0 : index
    %get3A_6 = arith.constant 0 : index
    %get3A_7 = vector.load %arg1[%get3A_4, %get3A_5, %get3A_6] : memref<2x1000x128xf32, #tpu.memory_space<vmem>>, vector<1x1000x128xf32>
    %get3A_8 = vector.shape_cast %get3A_7 : vector<1x1000x128xf32> to vector<1000x128xf32>
    %add3A = arith.addf %get3A_3, %get3A_8 : vector<1000x128xf32>
    %slice3A = vector.extract_strided_slice %add3A {offsets = [0, 64], sizes = [1000, 64], strides = [1, 1]} : vector<1000x128xf32> to vector<1000x64xf32>
    %reduce_sum3A = arith.constant dense<0.000000e+00> : vector<1000xf32>
    %reduce_sum3A_9 = vector.multi_reduction <add>, %slice3A, %reduce_sum3A [1] : vector<1000x64xf32> to vector<1000xf32>
    %broadcast_in_dim3A = vector.shape_cast %reduce_sum3A_9 : vector<1000xf32> to vector<1000x1xf32>
    %max3A = arith.constant 1.000000e+00 : f32
    %max3A_10 = vector.broadcast %max3A : f32 to vector<1000x1xf32>
    %max3A_11 = arith.maximumf %broadcast_in_dim3A, %max3A_10 : vector<1000x1xf32>
    %div3A = arith.constant 1.000000e+00 : f32
    %div3A_12 = vector.broadcast %div3A : f32 to vector<1000x1xf32>
    %div3A_13 = arith.divf %div3A_12, %max3A_11 : vector<1000x1xf32>
    %get3A_14 = arith.constant 0 : index
    %get3A_15 = arith.constant 0 : index
    %get3A_16 = arith.constant 0 : index
    %get3A_17 = vector.load %arg2[%get3A_14, %get3A_15, %get3A_16] : memref<2x1000x128xf32, #tpu.memory_space<vmem>>, vector<1x1000x128xf32>
    %get3A_18 = vector.shape_cast %get3A_17 : vector<1x1000x128xf32> to vector<1000x128xf32>
    %get3A_19 = arith.constant 1 : index
    %get3A_20 = arith.constant 0 : index
    %get3A_21 = arith.constant 0 : index
    %get3A_22 = vector.load %arg2[%get3A_19, %get3A_20, %get3A_21] : memref<2x1000x128xf32, #tpu.memory_space<vmem>>, vector<1x1000x128xf32>
    %get3A_23 = vector.shape_cast %get3A_22 : vector<1x1000x128xf32> to vector<1000x128xf32>
    %add3A_24 = arith.addf %get3A_18, %get3A_23 : vector<1000x128xf32>
    %slice3A_25 = vector.extract_strided_slice %add3A_24 {offsets = [0, 0], sizes = [1000, 32], strides = [1, 1]} : vector<1000x128xf32> to vector<1000x32xf32>
    %mul3A = vector.broadcast %div3A_13 : vector<1000x1xf32> to vector<1000x32xf32>
    %mul3A_26 = arith.mulf %slice3A_25, %mul3A : vector<1000x32xf32>
    %get3A_27 = arith.constant 0 : index
    %get3A_28 = arith.constant 0 : index
    %get3A_29 = vector.load %arg4[%get3A_27, %get3A_28] : memref<1x32xf32, #tpu.memory_space<vmem>>, vector<1x32xf32>
    %add3A_30 = vector.broadcast %get3A_29 : vector<1x32xf32> to vector<1000x32xf32>
    %add3A_31 = arith.addf %mul3A_26, %add3A_30 : vector<1000x32xf32>
    %get3A_32 = arith.constant 0 : index
    %get3A_33 = arith.constant 0 : index
    %get3A_34 = vector.load %arg3[%get3A_32, %get3A_33] : memref<1000x32xf32, #tpu.memory_space<vmem>>, vector<1000x32xf32>
    %add3A_35 = arith.addf %add3A_31, %get3A_34 : vector<1000x32xf32>
    %max3A_36 = arith.constant 0.000000e+00 : f32
    %max3A_37 = vector.broadcast %max3A_36 : f32 to vector<1000x32xf32>
    %max3A_38 = arith.maximumf %add3A_35, %max3A_37 : vector<1000x32xf32>
    %get3A_39 = arith.constant 0 : index
    %get3A_40 = arith.constant 0 : index
    %get3A_41 = vector.load %arg5[%get3A_39, %get3A_40] : memref<1x32xf32, #tpu.memory_space<vmem>>, vector<1x32xf32>
    %mul3A_42 = vector.broadcast %get3A_41 : vector<1x32xf32> to vector<1000x32xf32>
    %mul3A_43 = arith.mulf %max3A_38, %mul3A_42 : vector<1000x32xf32>
    %reduce_sum3A_44 = arith.constant dense<0.000000e+00> : vector<1000xf32>
    %reduce_sum3A_45 = vector.multi_reduction <add>, %mul3A_43, %reduce_sum3A_44 [1] : vector<1000x32xf32> to vector<1000xf32>
    %broadcast_in_dim3A_46 = vector.shape_cast %reduce_sum3A_45 : vector<1000xf32> to vector<1000x1xf32>
    %get3A_47 = arith.constant 0 : index
    %get3A_48 = arith.constant 0 : index
    %get3A_49 = vector.load %arg6[%get3A_47, %get3A_48] : memref<1x1xf32, #tpu.memory_space<vmem>>, vector<1x1xf32>
    %add3A_50 = vector.broadcast %get3A_49 : vector<1x1xf32> to vector<1000x1xf32>
    %add3A_51 = arith.addf %broadcast_in_dim3A_46, %add3A_50 : vector<1000x1xf32>
    %cos3A = math.cos %add3A_51 : vector<1000x1xf32>
    %sin3A = math.sin %add3A_51 : vector<1000x1xf32>
    %iota3A = tpu.iota {dimensions = array<i32: 1>} : vector<1000x4xi32>
    %eq3A = arith.constant 0 : i32
    %eq3A_52 = vector.broadcast %eq3A : i32 to vector<1000x4xi32>
    %eq3A_53 = arith.cmpi eq, %iota3A, %eq3A_52 : vector<1000x4xi32>
    %eq3A_54 = arith.constant 3 : i32
    %eq3A_55 = vector.broadcast %eq3A_54 : i32 to vector<1000x4xi32>
    %eq3A_56 = arith.cmpi eq, %iota3A, %eq3A_55 : vector<1000x4xi32>
    %or3A = arith.ori %eq3A_53, %eq3A_56 : vector<1000x4xi1>
    %eq3A_57 = arith.constant 1 : i32
    %eq3A_58 = vector.broadcast %eq3A_57 : i32 to vector<1000x4xi32>
    %eq3A_59 = arith.cmpi eq, %iota3A, %eq3A_58 : vector<1000x4xi32>
    %neg3A = arith.constant 0.000000e+00 : f32
    %neg3A_60 = vector.broadcast %neg3A : f32 to vector<1000x1xf32>
    %neg3A_61 = arith.subf %neg3A_60, %sin3A : vector<1000x1xf32>
    %broadcast_in_dim3A_62 = vector.shape_cast %neg3A_61 : vector<1000x1xf32> to vector<1000x1xf32>
    %broadcast_in_dim3A_63 = vector.broadcast %broadcast_in_dim3A_62 : vector<1000x1xf32> to vector<1000x4xf32>
    %broadcast_in_dim3A_64 = vector.shape_cast %sin3A : vector<1000x1xf32> to vector<1000x1xf32>
    %broadcast_in_dim3A_65 = vector.broadcast %broadcast_in_dim3A_64 : vector<1000x1xf32> to vector<1000x4xf32>
    %select_n3A = arith.select %eq3A_59, %broadcast_in_dim3A_63, %broadcast_in_dim3A_65 : vector<1000x4xi1>, vector<1000x4xf32>
    %broadcast_in_dim3A_66 = vector.shape_cast %cos3A : vector<1000x1xf32> to vector<1000x1xf32>
    %broadcast_in_dim3A_67 = vector.broadcast %broadcast_in_dim3A_66 : vector<1000x1xf32> to vector<1000x4xf32>
    %select_n3A_68 = arith.select %or3A, %broadcast_in_dim3A_67, %select_n3A : vector<1000x4xi1>, vector<1000x4xf32>
    %swap3A = arith.constant 0 : index
    %swap3A_69 = arith.constant 0 : index
    %swap3A_70 = vector.load %arg7[%swap3A, %swap3A_69] : memref<1000x4xf32, #tpu.memory_space<vmem>>, vector<1000x4xf32>
    tpu.vector_store %arg7[%swap3A, %swap3A_69], %select_n3A_68 {strides = array<i32>} : memref<1000x4xf32, #tpu.memory_space<vmem>>, vector<1000x4xf32>,
    return
  }
  func.func @transform_0(%arg0: i32) -> (i32, i32, i32) {
    %c0_i32 = arith.constant 0 : i32
    %c0_i32_0 = arith.constant 0 : i32
    %c0_i32_1 = arith.constant 0 : i32
    return %c0_i32, %arg0, %c0_i32_0 : i32, i32, i32
  }
  func.func @transform_1(%arg0: i32) -> (i32, i32, i32) {
    %c0_i32 = arith.constant 0 : i32
    %c0_i32_0 = arith.constant 0 : i32
    %c0_i32_1 = arith.constant 0 : i32
    return %c0_i32, %arg0, %c0_i32_0 : i32, i32, i32
  }
  func.func @transform_2(%arg0: i32) -> (i32, i32) {
    %c0_i32 = arith.constant 0 : i32
    %c0_i32_0 = arith.constant 0 : i32
    return %arg0, %c0_i32 : i32, i32
  }
  func.func @transform_3(%arg0: i32) -> (i32, i32) {
    %c0_i32 = arith.constant 0 : i32
    %c0_i32_0 = arith.constant 0 : i32
    %c0_i32_1 = arith.constant 0 : i32
    return %c0_i32, %c0_i32_0 : i32, i32
  }
  func.func @transform_4(%arg0: i32) -> (i32, i32) {
    %c0_i32 = arith.constant 0 : i32
    %c0_i32_0 = arith.constant 0 : i32
    %c0_i32_1 = arith.constant 0 : i32
    return %c0_i32, %c0_i32_0 : i32, i32
  }
  func.func @transform_5(%arg0: i32) -> (i32, i32) {
    %c0_i32 = arith.constant 0 : i32
    %c0_i32_0 = arith.constant 0 : i32
    %c0_i32_1 = arith.constant 0 : i32
    return %c0_i32, %c0_i32_0 : i32, i32
  }
  func.func @transform_6(%arg0: i32) -> (i32, i32) {
    %c0_i32 = arith.constant 0 : i32
    %c0_i32_0 = arith.constant 0 : i32
    return %arg0, %c0_i32 : i32, i32
  }
}

</mosaic_0001>

<sc_bundles>
// kernel: kernel.10.cloned.1.call-start
scs
__scs_entry_jumppad:
0x0: {  	(pc) =	sbr.rel $0x88, $3  }
0x1: {  	(tag) =	ssettag $0x0;
	lr =	simm.s32 $0x1  }
0x2: {  	[smem:$0x3F97] =	sst lr;
	_ =	strace $0xD0000000  }
0x3: {  	_ = 	snop  }
0x4: {  	_ = 	snop  }
0x5: {  	_ = 	snop  }
0x6: {  	_ = 	snop  }
0x7: {  	_ = 	snop  }
__scs_overlays_trampoline_lowered:
0x8: {  	[smem:$0x3FA6] =	sst s0  }
0x9: {  	[smem:$0x3FA7] =	sst s1  }
0xa: {  	[smem:$0x3FA8] =	sst s2  }
0xb: {  	[smem:$0x3FA9] =	sst s3  }
0xc: {  	[smem:$0x3FAA] =	sst s4  }
0xd: {  	[smem:$0x3FAB] =	sst s5  }
0xe: {  	[smem:$0x3FAC] =	sst s6  }
0xf: {  	[smem:$0x3FAD] =	sst s7  }
0x10: {  	[smem:$0x3FAE] =	sst s8  }
0x11: {  	[smem:$0x3FAF] =	sst s9;
	s0 =	simm.s32 @!p0 $0x0  }
0x12: {  	s1 =	sld [smem:$0x3F95];
	s0 =	simm.s32 @p0 $0x1  }
0x13: {  	[smem:$0x3FB0] =	sst s0;
	s0 =	simm.s32 @!p1 $0x0  }
0x14: {  	s2 =	sld [smem:$0x3F94];
	s0 =	simm.s32 @p1 $0x1  }
0x15: {  	[smem:$0x3FB1] =	sst s0;
	s0 =	simm.s32 @!p2 $0x0  }
0x16: {  	s3 =	sld [smem:$0x3FDB];
	s0 =	simm.s32 @p2 $0x1  }
0x17: {  	s4 =	simm.s32 $0x1BF5;
	[smem:$0x3FB3] =	sst s0  }
0x18: {  	s0 =	sld [smem:$0x3F96];
	_ =	swait.ge [sflag:s4], $0x0  }
0x19: {  	s7 =	sld [smem:$0x3F97]  }
0x1a: {  	s8 =	sadd.s32 $0xFFFFE003, lr  }
0x1b: {  	s9 =	sadd.s32 $0xFFFFFEF7, lr;
	s5 =	simm.s32 $0xFFFFFFFF;
	p2 =	slt.u32 s8, $0xFFFFF086  }
0x1c: {  	p1 =	slt.u32 s9, $0xF7A;
	s5 =	simm.s32 @!p2 $0x0  }
0x1d: {  	s5 =	simm.s32 @p1 $0x1;
	p0 =	seq.s32 s7, s2  }
0x1e: {  	s7 =	smul.u32 @!p0 $0xF7A, s2;
	p2 =	seq.s32 @!p0 s5, $0x0  }
0x1f: {  	s9 =	smul.u32 $0xF7A, s1;
	s8 =	simm.s32 @!p0 $0x1BF5;
	p2 =	por !p2, p0  }
0x20: {  	[sflag:s8] =	ssyncset.s32 @!p0 $0xFFFFF086;
	s6 =	sadd.s32 @!p0 s3, s7;
	s7 =	simm.s32 @!p0 $0x108  }
0x21: {  	s3 =	sadd.s32 s3, s9;
	s6 =	sadd.s32 @!p0 $0x88, s6;
	s7 =	simm.s32 @p2 $0x1082  }
0x22: {  	[simem:s7], [sflag:s8] =	dma.local @!p0 [hbm:s6], $0xF7A  }
0x23: {  	s9 =	sor.u32 $0xD0000000, s2;
	s6 =	simm.s32 $0x108;
	_ =	swait.ge @!p0 [sflag:s8], $0x0  }
0x24: {  	s3 =	sadd.s32 $0x88, s3;
	s6 =	simm.s32 @!p1 $0x1082;
	[sflag:s4] =	ssyncset.s32 $0xFFFFF086  }
0x25: {  	[simem:s6], [sflag:s4] =	dma.local [hbm:s3], $0xF7A  }
0x26: {  	[smem:$0x3F97] =	sst s1;
	(tag) =	ssettag s2;
	_ =	strace s9  }
0x27: {  	s1 =	sld [smem:$0x3FA7]  }
0x28: {  	s2 =	sld [smem:$0x3FA8]  }
0x29: {  	s4 =	sld [smem:$0x3FAA]  }
0x2a: {  	p0 =	seq.s32 s5, $0x0;
	s5 =	sld [smem:$0x3FAB]  }
0x2b: {  	s6 =	sld [smem:$0x3FAC]  }
0x2c: {  	s7 =	sld [smem:$0x3FAD]  }
0x2d: {  	s3 =	simm.s32 $0x108;
	s8 =	sld [smem:$0x3FAE]  }
0x2e: {  	s3 =	simm.s32 @!p0 $0x1082;
	s9 =	sld [smem:$0x3FAF]  }
0x2f: {  	lr =	sadd.s32 s0, s3;
	s0 =	sld [smem:$0x3FA6]  }
0x30: {  	s3 =	sld [smem:$0x3FA9]  }
0x31: {  	[smem:$0x3FB2] =	sst s10  }
0x32: {  	s10 =	sld [smem:$0x3FB0];
	_ =	sdelay $0x3  }
0x33: {  	p0 =	seq.s32 s10, $0x1;
	s10 =	sld [smem:$0x3FB2];
	_ =	sdelay $0x3  }
0x34: {  	[smem:$0x3FB2] =	sst s10  }
0x35: {  	s10 =	sld [smem:$0x3FB1];
	_ =	sdelay $0x3  }
0x36: {  	p1 =	seq.s32 s10, $0x1;
	s10 =	sld [smem:$0x3FB2];
	_ =	sdelay $0x3  }
0x37: {  	[smem:$0x3FB2] =	sst s10  }
0x38: {  	s10 =	sld [smem:$0x3FB3]  }
0x39: {  	_ = 	snop;
	(pc) =	sbr.ind lr, $3  }
0x3a: {  	_ = 	snop  }
0x3b: {  	_ = 	snop  }
0x3c: {  	p2 =	seq.s32 s10, $0x1;
	s10 =	sld [smem:$0x3FB2]  }
0x3d: {  	_ =	shalt  }
0x3e: {  	_ =	shalt  }
0x3f: {  	_ =	shalt  }
0x40: {  	_ =	shalt  }
0x41: {  	_ =	shalt  }
0x42: {  	_ =	shalt  }
0x43: {  	_ =	shalt  }
0x44: {  	_ =	shalt  }
0x45: {  	_ =	shalt  }
0x46: {  	_ =	shalt  }
0x47: {  	_ =	shalt  }
0x48: {  	_ =	shalt  }
0x49: {  	_ =	shalt  }
0x4a: {  	_ =	shalt  }
0x4b: {  	_ =	shalt  }
0x4c: {  	_ =	shalt  }
0x4d: {  	_ =	shalt  }
0x4e: {  	_ =	shalt  }
0x4f: {  	_ =	shalt  }
0x50: {  	_ =	shalt  }
0x51: {  	_ =	shalt  }
0x52: {  	_ =	shalt  }
0x53: {  	_ =	shalt  }
0x54: {  	_ =	shalt  }
0x55: {  	_ =	shalt  }
0x56: {  	_ =	shalt  }
0x57: {  	_ =	shalt  }
0x58: {  	_ =	shalt  }
0x59: {  	_ =	shalt  }
0x5a: {  	_ =	shalt  }
0x5b: {  	_ =	shalt  }
0x5c: {  	_ =	shalt  }
0x5d: {  	_ =	shalt  }
0x5e: {  	_ =	shalt  }
0x5f: {  	_ =	shalt  }
0x60: {  	_ =	shalt  }
0x61: {  	_ =	shalt  }
0x62: {  	_ =	shalt  }
0x63: {  	_ =	shalt  }
0x64: {  	_ =	shalt  }
0x65: {  	_ =	shalt  }
0x66: {  	_ =	shalt  }
0x67: {  	_ =	shalt  }
0x68: {  	_ =	shalt  }
0x69: {  	_ =	shalt  }
0x6a: {  	_ =	shalt  }
0x6b: {  	_ =	shalt  }
0x6c: {  	_ =	shalt  }
0x6d: {  	_ =	shalt  }
0x6e: {  	_ =	shalt  }
0x6f: {  	_ =	shalt  }
0x70: {  	_ =	shalt  }
0x71: {  	_ =	shalt  }
0x72: {  	_ =	shalt  }
0x73: {  	_ =	shalt  }
0x74: {  	_ =	shalt  }
0x75: {  	_ =	shalt  }
0x76: {  	_ =	shalt  }
0x77: {  	_ =	shalt  }
0x78: {  	_ =	shalt  }
0x79: {  	_ =	shalt  }
0x7a: {  	_ =	shalt  }
0x7b: {  	_ =	shalt  }
0x7c: {  	_ =	shalt  }
0x7d: {  	_ =	shalt  }
0x7e: {  	_ =	shalt  }
0x7f: {  	_ =	shalt  }
0x80: {  	_ =	shalt  }
0x81: {  	_ =	shalt  }
0x82: {  	_ =	shalt  }
0x83: {  	_ =	shalt  }
0x84: {  	_ =	shalt  }
0x85: {  	_ =	shalt  }
0x86: {  	_ =	shalt  }
0x87: {  	_ =	shalt  }
.Lfunc_end0:
.L_simem_size_0:
called_computation.1_lowered:
.L_overlay_start_0:
0x88: {  	s2 =	sld [smem:$0x3FD9]  }
0x89: {  	s3 =	sld [smem:$0x3FFE];
	_ =	sdelay $0x1  }
0x8a: {  	s1 =	srdreg.scid  }
0x8b: {  	s0 =	sand.u32 $0x1, s1  }
0x8c: {  	s16 =	sshll.u32 s0, $0xA;
	s2 =	sadd.s32 s3, s2  }
0x8d: {  	s2 =	sadd.s32 s2, s16  }
0x8e: {  	[smem:$0x3FBE] =	sst s2  }
0x8f: {  	_ = 	snop  }
0x90: {  	(tm) =	ssettm $0x1  }
0x91: {  	s17 =	sld [smem:$0x3FFB];
	_ =	sdelay $0x3  }
0x92: {  	_ =	strace s17  }
0x93: {  	s2 =	sld [smem:$0x3FFC];
	_ =	sdelay $0x3  }
0x94: {  	_ =	strace s2  }
0x95: {  	s2 =	sld [smem:$0x3FFD];
	_ =	sdelay $0x3  }
0x96: {  	_ =	strace s2  }
0x97: {  	_ =	strace $0x8FFFFFFF  }
0x98: {  	s18 =	sld [smem:$0x3FDB];
	_ =	sdelay $0x1  }
0x99: {  	s19 =	simm.s32 $_scs_section_size  }
0x9a: {  	s4 =	simm.s32 $_size__tile_overlayer_lowered;
	s5 =	simm.s32 $_tile_overlayer_lowered  }
0x9b: {  	s22 =	simm.s32 $0x1BFF;
	s21 =	sshll.u32 s5, $0x1;
	s2 =	sadd.s32 s19, s18  }
0x9c: {  	s6 =	simm.s32 $0x0;
	s20 =	sshll.u32 s4, $0x1;
	s4 =	sadd.s32 s21, s2  }
0x9d: {  	[timem:s6], [sflag:s22] =	dma.local [hbm:s4], s20  }
0x9e: {  	_ =	swait.ge [sflag:s22], s20  }
0x9f: {  	s3 =	ssub.s32 $0x0, s20;
	[sflag:s22] =	ssyncset.done $0x0  }
0xa0: {  	[sflag:s22] =	ssyncadd.s32 s3;
	_ =	sdelay $0x1  }
0xa1: {  	s23 =	simm.s32 $0x1B8B  }
0xa2: {  	_ =	swait.ge [sflag:s23], $0x1  }
0xa3: {  	[sflag:s23] =	ssyncset.done $0x0  }
0xa4: {  	s25 =	simm.s32 $0x1B8E;
	s24 =	sld [smem:$0x3FFE];
	[sflag:s23] =	ssyncadd.s32 $0xFFFFFFFF  }
0xa5: {  	s26 =	simm.s32 $execute0_lowered;
	[smem:$0x3FD2] =	sst s25  }
0xa6: {  	s4 =	sshll.u32 s26, $0x1;
	_ =	strace $0x80000049;
	[dreg:$0x1] =	wrdreg $0xFFFFFFFF  }
0xa7: {  	s28 =	simm.s32 $_size_execute0_lowered;
	s2 =	sadd.s32 s2, s4;
	[dreg:$0x0] =	wrdreg $0x0  }
0xa8: {  	s4 =	sshll.u32 s28, $0x1;
	[dreg:$0x2] =	wrdreg s2  }
0xa9: {  	[dreg:$0x3] =	wrdreg s4  }
0xaa: {  	[dreg:$0x4] =	wrdreg $0xC0  }
0xab: {  	_ =	task [dreg:s6], $0x5FFFF  }
0xac: {  	[dreg:$0x1] =	wrdreg $0xFFFFFFFF  }
0xad: {  	[dreg:$0x0] =	wrdreg $0x60  }
0xae: {  	[dreg:$0x2] =	wrdreg s24  }
0xaf: {  	[dreg:$0x3] =	wrdreg $0x41000  }
0xb0: {  	[dreg:$0x4] =	wrdreg $0x9  }
0xb1: {  	_ =	task.clear_ibuf [dreg:s6], $0x5FFFF;
	_ =	strace $0x90000049  }
0xb2: {  	s29 =	simm.s32 $0x9;
	_ =	strace $0x8000004B  }
0xb3: {  	_ =	swait.ge [sflag:s29], $0x1  }
0xb4: {  	[sflag:s29] =	ssyncadd.s32 $0xFFFFFFFF  }
0xb5: {  	_ =	strace $0x9000004B  }
0xb6: {  	_ =	sfence  }
0xb7: {  	s30 =	sld [smem:$0x0];
	_ =	sdelay $0x2  }
0xb8: {  	s31 =	sshll.u32 s1, $0xD;
	s1 =	sshrl.u32 s1, $0x2  }
0xb9: {  	s3 =	sand.u32 $0x4000, s31;
	s1 =	sadd.s32 s1, s30  }
0xba: {  	s0 =	sor.u32 s3, s0;
	s1 =	sshll.u32 s1, $0x11  }
0xbb: {  	s0 =	sor.u32 s1, s0  }
0xbc: {  	s0 =	sadd.s32 $0x8F2B, s0  }
0xbd: {  	[sflag:s0] =	ssyncadd.remote.s32 $0x1  }
0xbe: {  	_ =	sfence.sel $0xFFFF  }
0xbf: {  	[dreg:$0x0] =	wrdreg $0xFFFFFFFF;
	(pc) =	sbr.abs _section_cstart, $3  }
0xc0: {  	[dreg:$0x1] =	wrdreg $0xFFFFFFFF  }
0xc1: {  	_ =	task.clear_ibuf [dreg:s6], $0x2FFFF;
	_ =	strace $0x9FFFFFFF  }
0xc2: {  	(tm) =	ssettm $0x7FFFFFFF  }
0xc3: {  	_ =	shalt  }
tec
execute0_lowered:
.L_overlay_start_1:
0x0: {  	(tag) =	ssettag $0x1  }
0x1: {  	s5 =	rddreg [dreg:$0x0]  }
0x2: {  	s1 =	rddreg [dreg:$0x1]  }
0x3: {  	s0 =	rddreg [dreg:$0x2];
	s3 =	simm.s32 $0x0;
	s2 =	srdreg.scid  }
0x4: {  	s15 =	simm.s32 $0x2;
	s16 =	simm.s32 $0x80;
	s17 =	simm.s32 $0x1  }
0x5: {  	s20 =	simm.s32 $0x0;
	[smem:$0x7FF] =	sst s3;
	s8 =	sand.u32 $0x1, s2  }
0x6: {  	s2 =	stileid.u32;
	s4 =	sadd.s32 $0x16000, s5;
	s6 =	smul.u32 $0x140000, s8  }
0x7: {  	_ =	strace $0x8000004A;
	s7 =	smul.u32 $0x14000, s2;
	s9 =	sshll.u32 s2, $0x5  }
0x8: {  	s10 =	smul.u32 $0x50000, s2;
	s29 =	ssub.s32 $0x2, s8;
	s31 =	sshll.u32 s8, $0x4  }
0x9: {  	s18 =	sshll.u32 s2, $0x6;
	s11 =	sadd.s32 s9, s5;
	s30 =	sshrl.u32 s29, $0x1  }
0xa: {  	s18 =	sor.u32 $0x1C02, s18;
	s6 =	sadd.s32 s7, s6;
	s10 =	sshrl.u32 s10, $0x2  }
0xb: {  	s13 =	ssub.s32 s29, s30;
	s14 =	sadd.s32 s31, s11;
	s6 =	sshrl.u32 s6, $0x3  }
0xc: {  	s11 =	smax.u32 s13, $0x1;
	s12 =	sadd.s32 s6, s5;
	s5 =	sadd.s32 s10, s1  }
0xd: {  	s13 =	sadd.s32 $0x2400, s14;
	s6 =	sadd.s32 $0x4000, s5;
	s7 =	sadd.s32 $0x8000, s5  }
0xe: {  	s8 =	sadd.s32 $0xC000, s5;
	s9 =	sadd.s32 $0x10000, s5;
	s10 =	sadd.s32 $0x8E000, s12  }
0xf: {  	v0 =	vimm.f32 $0.0e+00;
	s12 =	sadd.s32 $0xC200, s14;
	s14 =	simm.s32 $0x100;
	s19 =	sshrl.u32 s5, $0x3  }
.LBB2_1:
0x10: {  	s21 =	simm.s32 $0x0;
	s22 =	simm.s32 $0x200  }
.LBB2_2:
0x11: {  	p0 =	sne.s32 s22, $0xFE00;
	[tilespmem:s21+$0x170] =	vst v0  }
0x12: {  	[tilespmem:s21+$0x100] =	vst v0  }
0x13: {  	[tilespmem:s21+$0x110] =	vst v0  }
.Ltmp0:
0x14: {  	[tilespmem:s21+$0x120] =	vst v0;
	(pc) =	sbr.rel @p0 .LBB2_2-.Ltmp0, $4  }
0x15: {  	[tilespmem:s21+$0x130] =	vst v0  }
0x16: {  	[tilespmem:s21+$0x140] =	vst v0  }
0x17: {  	[tilespmem:s21+$0x150] =	vst v0  }
0x18: {  	[tilespmem:s21+$0x160] =	vst v0;
	s21 =	sshra.s32 s22, $0x2;
	s22 =	sadd.s32 $0x200, s22  }
0x19: {  	[tilespmem:s21+$0x170] =	vst v0  }
0x1a: {  	[tilespmem:s21+$0x100] =	vst v0  }
0x1b: {  	[tilespmem:s21+$0x110] =	vst v0  }
0x1c: {  	[tilespmem:s21+$0x120] =	vst v0  }
0x1d: {  	[tilespmem:s21+$0x130] =	vst v0  }
0x1e: {  	[tilespmem:s21+$0x140] =	vst v0  }
0x1f: {  	[tilespmem:s21+$0x150] =	vst v0  }
0x20: {  	[tilespmem:s21+$0x160] =	vst v0  }
0x21: {  	[spmem:s5] =	stream.linear.scatter [tilespmem:s14], [sflag:$0x2], $0x4000, $0x38;
	[tilespmem:$0x18100] =	vst v63  }
0x22: {  	_ =	swait.ge [sflag:s15], $0x4000  }
0x23: {  	[sflag:s15] =	ssyncset.done $0x0  }
0x24: {  	[sflag:s15] =	ssyncadd.s32 $0xFFFFC000  }
0x25: {  	[spmem:s6] =	stream.linear.scatter [tilespmem:s14], [sflag:$0x2], $0x4000, $0x38;
	[tilespmem:$0x18100] =	vst v63  }
0x26: {  	_ =	swait.ge [sflag:s15], $0x4000  }
0x27: {  	[sflag:s15] =	ssyncset.done $0x0  }
0x28: {  	[sflag:s15] =	ssyncadd.s32 $0xFFFFC000  }
0x29: {  	[spmem:s7] =	stream.linear.scatter [tilespmem:s14], [sflag:$0x2], $0x4000, $0x38;
	[tilespmem:$0x18100] =	vst v63  }
0x2a: {  	_ =	swait.ge [sflag:s15], $0x4000  }
0x2b: {  	[sflag:s15] =	ssyncset.done $0x0  }
0x2c: {  	[sflag:s15] =	ssyncadd.s32 $0xFFFFC000  }
0x2d: {  	[spmem:s8] =	stream.linear.scatter [tilespmem:s14], [sflag:$0x2], $0x4000, $0x38;
	[tilespmem:$0x18100] =	vst v63  }
0x2e: {  	_ =	swait.ge [sflag:s15], $0x4000  }
0x2f: {  	[sflag:s15] =	ssyncset.done $0x0  }
0x30: {  	[sflag:s15] =	ssyncadd.s32 $0xFFFFC000  }
0x31: {  	[spmem:s9] =	stream.linear.scatter [tilespmem:s14], [sflag:$0x2], $0x4000, $0x38;
	[tilespmem:$0x18100] =	vst v63  }
0x32: {  	_ =	swait.ge [sflag:s15], $0x4000  }
0x33: {  	[sflag:s15] =	ssyncset.done $0x0  }
0x34: {  	[sflag:s15] =	ssyncadd.s32 $0xFFFFC000  }
0x35: {  	s30 =	sadd.s32 $0x0, s12;
	[bflag:$0x0] =	sbarrier.arrive $0xFFFF  }
0x36: {  	[tilespmem:s3], [sflag:$0x2] =	stream.linear.gather [hbm4b:s30+s3], $0x80, $0x38;
	[tilespmem:$0x18100] =	vst v63  }
0x37: {  	_ =	swait.ge [sflag:s15], $0x80  }
0x38: {  	[sflag:s15] =	ssyncset.done $0x0  }
0x39: {  	s31 =	sadd.s32 $0x0, s13;
	[sflag:s15] =	ssyncadd.s32 $0xFFFFFF80  }
0x3a: {  	[tilespmem:s16], [sflag:$0x2] =	stream.linear.gather [hbm4b:s31+s3], $0x80, $0x38;
	[tilespmem:$0x18100] =	vst v63  }
0x3b: {  	_ =	swait.ge [sflag:s15], $0x80  }
0x3c: {  	[sflag:s15] =	ssyncset.done $0x0  }
0x3d: {  	[sflag:s15] =	ssyncadd.s32 $0xFFFFFF80  }
0x3e: {  	[tilespmem:s14], [sflag:$0x1] =	stream.indirect.gather [hbm4b:s4+s16], $0x80, s3, s16, $0xb8;
	[tilespmem:$0x18100] =	vst v63  }
0x3f: {  	_ =	swait.ge [sflag:s17], $0x4000  }
0x40: {  	[sflag:s17] =	ssyncset.done $0x0  }
0x41: {  	[sflag:s17] =	ssyncadd.s32 $0xFFFFC000  }
0x42: {  	[spmem:s1] =	stream.indirect.scatter.add.f32 [tilespmem:s14], [sflag:$0x2], $0x80, s16, s16, $0xb8;
	[tilespmem:$0x18100] =	vst v63  }
0x43: {  	_ =	swait.ge [sflag:s15], $0x4000  }
0x44: {  	s21 =	simm.s32 $0x200;
	s22 =	simm.s32 $0x400;
	[sflag:s15] =	ssyncset.done $0x0  }
.LBB2_4:
0x45: {  	s23 =	sadd.s32 s21, s12  }
0x46: {  	[sflag:s15] =	ssyncadd.s32 $0xFFFFC000;
	s24 =	smov.u32 s22;
	s25 =	sadd.s32 $0x200, s22  }
0x47: {  	[tilespmem:s3], [sflag:$0x2] =	stream.linear.gather [hbm4b:s23+s3], $0x80, $0x38;
	[tilespmem:$0x18100] =	vst v63  }
0x48: {  	p0 =	sne.s32 s22, $0x9C00;
	_ =	swait.ge [sflag:s15], $0x80  }
0x49: {  	[sflag:s15] =	ssyncset.done $0x0  }
0x4a: {  	s22 =	sadd.s32 s21, s13;
	s21 =	smov.u32 s24;
	[sflag:s15] =	ssyncadd.s32 $0xFFFFFF80  }
0x4b: {  	[tilespmem:s16], [sflag:$0x2] =	stream.linear.gather [hbm4b:s22+s3], $0x80, $0x38;
	[tilespmem:$0x18100] =	vst v63  }
0x4c: {  	_ =	swait.ge [sflag:s15], $0x80  }
0x4d: {  	[sflag:s15] =	ssyncset.done $0x0  }
0x4e: {  	[sflag:s15] =	ssyncadd.s32 $0xFFFFFF80  }
0x4f: {  	[tilespmem:s14], [sflag:$0x1] =	stream.indirect.gather [hbm4b:s4+s16], $0x80, s3, s16, $0xb8;
	[tilespmem:$0x18100] =	vst v63  }
0x50: {  	_ =	swait.ge [sflag:s17], $0x4000  }
.Ltmp1:
0x51: {  	[sflag:s17] =	ssyncset.done $0x0;
	(pc) =	sbr.rel @p0 .LBB2_4-.Ltmp1, $4  }
0x52: {  	[sflag:s17] =	ssyncadd.s32 $0xFFFFC000  }
0x53: {  	[spmem:s1] =	stream.indirect.scatter.add.f32 [tilespmem:s14], [sflag:$0x2], $0x80, s16, s16, $0xb8;
	[tilespmem:$0x18100] =	vst v63  }
0x54: {  	_ =	swait.ge [sflag:s15], $0x4000  }
0x55: {  	s22 =	smov.u32 s25;
	[sflag:s15] =	ssyncset.done $0x0  }
0x56: {  	s22 =	sadd.s32 s21, s12;
	[sflag:s15] =	ssyncadd.s32 $0xFFFFC000  }
0x57: {  	[tilespmem:s3], [sflag:$0x2] =	stream.linear.gather [hbm4b:s22+s3], $0x80, $0x38;
	[tilespmem:$0x18100] =	vst v63  }
0x58: {  	_ =	swait.ge [sflag:s15], $0x80  }
0x59: {  	[sflag:s15] =	ssyncset.done $0x0  }
0x5a: {  	s31 =	sadd.s32 s21, s13;
	[sflag:s15] =	ssyncadd.s32 $0xFFFFFF80  }
0x5b: {  	[tilespmem:s16], [sflag:$0x2] =	stream.linear.gather [hbm4b:s31+s3], $0x80, $0x38;
	[tilespmem:$0x18100] =	vst v63  }
0x5c: {  	_ =	swait.ge [sflag:s15], $0x80  }
0x5d: {  	[sflag:s15] =	ssyncset.done $0x0  }
0x5e: {  	[sflag:s15] =	ssyncadd.s32 $0xFFFFFF80  }
0x5f: {  	[tilespmem:s14], [sflag:$0x1] =	stream.indirect.gather [hbm4b:s4+s16], $0x80, s3, s16, $0xb8;
	[tilespmem:$0x18100] =	vst v63  }
0x60: {  	_ =	swait.ge [sflag:s17], $0x4000  }
0x61: {  	[sflag:s17] =	ssyncset.done $0x0  }
0x62: {  	[sflag:s17] =	ssyncadd.s32 $0xFFFFC000  }
0x63: {  	[spmem:s1] =	stream.indirect.scatter.add.f32 [tilespmem:s14], [sflag:$0x2], $0x80, s16, s16, $0xb8;
	[tilespmem:$0x18100] =	vst v63  }
0x64: {  	_ =	swait.ge [sflag:s15], $0x4000  }
0x65: {  	s20 =	sadd.s32 $0x1, s20;
	[sflag:s15] =	ssyncset.done $0x0  }
0x66: {  	p0 =	sne.s32 s20, s11;
	[sflag:s15] =	ssyncadd.s32 $0xFFFFC000  }
.Ltmp2:
0x67: {  	[bflag:$0x0] =	sbarrier.arrive $0xFFFF;
	(pc) =	sbr.rel @p0 .LBB2_1-.Ltmp2, $4  }
0x68: {  	[hbm:s10], [sflag:s18] =	dma.local [spmem:s19], $0x2800  }
0x69: {  	_ =	swait.ge [sflag:s15], $0x2800  }
0x6a: {  	[sflag:s15] =	ssyncset.done $0x0  }
0x6b: {  	[sflag:s15] =	ssyncadd.s32 $0xFFFFD800  }
0x6c: {  	_ =	sfence.sel $0x180000  }
0x6d: {  	[bflag:$0x0] =	sbarrier.arrive $0xFFFF  }
0x6e: {  	p0 =	sne.s32 s2, $0x0;
	_ =	strace $0x9000004A  }
0x6f: {  	s0 =	sadd.s32 @!p0 $0x100000, s0;
	[bflag:$0x2] =	sbarrier.arrive $0xFFFF  }
0x70: {  	[sflag:s0] =	ssyncadd.tile.s32 @!p0 $0x1;
	_ =	shalt  }
.Lfunc_end2:
_tile_overlayer_lowered:
.L_overlay_start_2:
0x71: {  	(tag) =	ssettag $0x2  }
0x72: {  	s0 =	rddreg [dreg:$0x0];
	s2 =	stileid.u32  }
0x73: {  	s1 =	rddreg [dreg:$0x1];
	p0 =	sne.s32 s2, $0x0  }
0x74: {  	s3 =	rddreg [dreg:$0x2];
	[bflag:$0x3] =	sbarrier.arrive $0xFFFF;
	s2 =	simm.s32 @!p0 $0x1C02  }
0x75: {  	[timem:s3], [sflag:s2] =	dma.local @!p0 [hbm:s0], s1  }
0x76: {  	s0 =	simm.s32 @!p0 $0x2  }
0x77: {  	_ =	swait.ge @!p0 [sflag:s0], s1  }
0x78: {  	s1 =	ssub.s32 @!p0 $0x0, s1;
	[sflag:s0] =	ssyncset.done @!p0 $0x0  }
0x79: {  	[sflag:s0] =	ssyncadd.s32 @!p0 s1  }
0x7a: {  	[bflag:$0x3] =	sbarrier.arrive $0xFFFF  }
0x7b: {  	_ =	shalt  }

// kernel: kernel.7.cloned.1.call-start
scs
__scs_entry_jumppad:
0x0: {  	(pc) =	sbr.rel $0x88, $3  }
0x1: {  	(tag) =	ssettag $0x0;
	lr =	simm.s32 $0x1  }
0x2: {  	[smem:$0x3F97] =	sst lr;
	_ =	strace $0xD0000000  }
0x3: {  	_ = 	snop  }
0x4: {  	_ = 	snop  }
0x5: {  	_ = 	snop  }
0x6: {  	_ = 	snop  }
0x7: {  	_ = 	snop  }
__scs_overlays_trampoline_lowered:
0x8: {  	[smem:$0x3FA6] =	sst s0  }
0x9: {  	[smem:$0x3FA7] =	sst s1  }
0xa: {  	[smem:$0x3FA8] =	sst s2  }
0xb: {  	[smem:$0x3FA9] =	sst s3  }
0xc: {  	[smem:$0x3FAA] =	sst s4  }
0xd: {  	[smem:$0x3FAB] =	sst s5  }
0xe: {  	[smem:$0x3FAC] =	sst s6  }
0xf: {  	[smem:$0x3FAD] =	sst s7  }
0x10: {  	[smem:$0x3FAE] =	sst s8  }
0x11: {  	[smem:$0x3FAF] =	sst s9;
	s0 =	simm.s32 @!p0 $0x0  }
0x12: {  	s1 =	sld [smem:$0x3F95];
	s0 =	simm.s32 @p0 $0x1  }
0x13: {  	[smem:$0x3FB0] =	sst s0;
	s0 =	simm.s32 @!p1 $0x0  }
0x14: {  	s2 =	sld [smem:$0x3F94];
	s0 =	simm.s32 @p1 $0x1  }
0x15: {  	[smem:$0x3FB1] =	sst s0;
	s0 =	simm.s32 @!p2 $0x0  }
0x16: {  	s3 =	sld [smem:$0x3FDB];
	s0 =	simm.s32 @p2 $0x1  }
0x17: {  	s4 =	simm.s32 $0x1BF5;
	[smem:$0x3FB3] =	sst s0  }
0x18: {  	s0 =	sld [smem:$0x3F96];
	_ =	swait.ge [sflag:s4], $0x0  }
0x19: {  	s7 =	sld [smem:$0x3F97]  }
0x1a: {  	s8 =	sadd.s32 $0xFFFFE003, lr  }
0x1b: {  	s9 =	sadd.s32 $0xFFFFFEF7, lr;
	s5 =	simm.s32 $0xFFFFFFFF;
	p2 =	slt.u32 s8, $0xFFFFF086  }
0x1c: {  	p1 =	slt.u32 s9, $0xF7A;
	s5 =	simm.s32 @!p2 $0x0  }
0x1d: {  	s5 =	simm.s32 @p1 $0x1;
	p0 =	seq.s32 s7, s2  }
0x1e: {  	s7 =	smul.u32 @!p0 $0xF7A, s2;
	p2 =	seq.s32 @!p0 s5, $0x0  }
0x1f: {  	s9 =	smul.u32 $0xF7A, s1;
	s8 =	simm.s32 @!p0 $0x1BF5;
	p2 =	por !p2, p0  }
0x20: {  	[sflag:s8] =	ssyncset.s32 @!p0 $0xFFFFF086;
	s6 =	sadd.s32 @!p0 s3, s7;
	s7 =	simm.s32 @!p0 $0x108  }
0x21: {  	s3 =	sadd.s32 s3, s9;
	s6 =	sadd.s32 @!p0 $0x88, s6;
	s7 =	simm.s32 @p2 $0x1082  }
0x22: {  	[simem:s7], [sflag:s8] =	dma.local @!p0 [hbm:s6], $0xF7A  }
0x23: {  	s9 =	sor.u32 $0xD0000000, s2;
	s6 =	simm.s32 $0x108;
	_ =	swait.ge @!p0 [sflag:s8], $0x0  }
0x24: {  	s3 =	sadd.s32 $0x88, s3;
	s6 =	simm.s32 @!p1 $0x1082;
	[sflag:s4] =	ssyncset.s32 $0xFFFFF086  }
0x25: {  	[simem:s6], [sflag:s4] =	dma.local [hbm:s3], $0xF7A  }
0x26: {  	[smem:$0x3F97] =	sst s1;
	(tag) =	ssettag s2;
	_ =	strace s9  }
0x27: {  	s1 =	sld [smem:$0x3FA7]  }
0x28: {  	s2 =	sld [smem:$0x3FA8]  }
0x29: {  	s4 =	sld [smem:$0x3FAA]  }
0x2a: {  	p0 =	seq.s32 s5, $0x0;
	s5 =	sld [smem:$0x3FAB]  }
0x2b: {  	s6 =	sld [smem:$0x3FAC]  }
0x2c: {  	s7 =	sld [smem:$0x3FAD]  }
0x2d: {  	s3 =	simm.s32 $0x108;
	s8 =	sld [smem:$0x3FAE]  }
0x2e: {  	s3 =	simm.s32 @!p0 $0x1082;
	s9 =	sld [smem:$0x3FAF]  }
0x2f: {  	lr =	sadd.s32 s0, s3;
	s0 =	sld [smem:$0x3FA6]  }
0x30: {  	s3 =	sld [smem:$0x3FA9]  }
0x31: {  	[smem:$0x3FB2] =	sst s10  }
0x32: {  	s10 =	sld [smem:$0x3FB0];
	_ =	sdelay $0x3  }
0x33: {  	p0 =	seq.s32 s10, $0x1;
	s10 =	sld [smem:$0x3FB2];
	_ =	sdelay $0x3  }
0x34: {  	[smem:$0x3FB2] =	sst s10  }
0x35: {  	s10 =	sld [smem:$0x3FB1];
	_ =	sdelay $0x3  }
0x36: {  	p1 =	seq.s32 s10, $0x1;
	s10 =	sld [smem:$0x3FB2];
	_ =	sdelay $0x3  }
0x37: {  	[smem:$0x3FB2] =	sst s10  }
0x38: {  	s10 =	sld [smem:$0x3FB3]  }
0x39: {  	_ = 	snop;
	(pc) =	sbr.ind lr, $3  }
0x3a: {  	_ = 	snop  }
0x3b: {  	_ = 	snop  }
0x3c: {  	p2 =	seq.s32 s10, $0x1;
	s10 =	sld [smem:$0x3FB2]  }
0x3d: {  	_ =	shalt  }
0x3e: {  	_ =	shalt  }
0x3f: {  	_ =	shalt  }
0x40: {  	_ =	shalt  }
0x41: {  	_ =	shalt  }
0x42: {  	_ =	shalt  }
0x43: {  	_ =	shalt  }
0x44: {  	_ =	shalt  }
0x45: {  	_ =	shalt  }
0x46: {  	_ =	shalt  }
0x47: {  	_ =	shalt  }
0x48: {  	_ =	shalt  }
0x49: {  	_ =	shalt  }
0x4a: {  	_ =	shalt  }
0x4b: {  	_ =	shalt  }
0x4c: {  	_ =	shalt  }
0x4d: {  	_ =	shalt  }
0x4e: {  	_ =	shalt  }
0x4f: {  	_ =	shalt  }
0x50: {  	_ =	shalt  }
0x51: {  	_ =	shalt  }
0x52: {  	_ =	shalt  }
0x53: {  	_ =	shalt  }
0x54: {  	_ =	shalt  }
0x55: {  	_ =	shalt  }
0x56: {  	_ =	shalt  }
0x57: {  	_ =	shalt  }
0x58: {  	_ =	shalt  }
0x59: {  	_ =	shalt  }
0x5a: {  	_ =	shalt  }
0x5b: {  	_ =	shalt  }
0x5c: {  	_ =	shalt  }
0x5d: {  	_ =	shalt  }
0x5e: {  	_ =	shalt  }
0x5f: {  	_ =	shalt  }
0x60: {  	_ =	shalt  }
0x61: {  	_ =	shalt  }
0x62: {  	_ =	shalt  }
0x63: {  	_ =	shalt  }
0x64: {  	_ =	shalt  }
0x65: {  	_ =	shalt  }
0x66: {  	_ =	shalt  }
0x67: {  	_ =	shalt  }
0x68: {  	_ =	shalt  }
0x69: {  	_ =	shalt  }
0x6a: {  	_ =	shalt  }
0x6b: {  	_ =	shalt  }
0x6c: {  	_ =	shalt  }
0x6d: {  	_ =	shalt  }
0x6e: {  	_ =	shalt  }
0x6f: {  	_ =	shalt  }
0x70: {  	_ =	shalt  }
0x71: {  	_ =	shalt  }
0x72: {  	_ =	shalt  }
0x73: {  	_ =	shalt  }
0x74: {  	_ =	shalt  }
0x75: {  	_ =	shalt  }
0x76: {  	_ =	shalt  }
0x77: {  	_ =	shalt  }
0x78: {  	_ =	shalt  }
0x79: {  	_ =	shalt  }
0x7a: {  	_ =	shalt  }
0x7b: {  	_ =	shalt  }
0x7c: {  	_ =	shalt  }
0x7d: {  	_ =	shalt  }
0x7e: {  	_ =	shalt  }
0x7f: {  	_ =	shalt  }
0x80: {  	_ =	shalt  }
0x81: {  	_ =	shalt  }
0x82: {  	_ =	shalt  }
0x83: {  	_ =	shalt  }
0x84: {  	_ =	shalt  }
0x85: {  	_ =	shalt  }
0x86: {  	_ =	shalt  }
0x87: {  	_ =	shalt  }
.Lfunc_end0:
.L_simem_size_0:
called_computation_lowered:
.L_overlay_start_0:
0x88: {  	s2 =	sld [smem:$0x3FD9]  }
0x89: {  	s3 =	sld [smem:$0x3FFE];
	_ =	sdelay $0x1  }
0x8a: {  	s1 =	srdreg.scid  }
0x8b: {  	s0 =	sand.u32 $0x1, s1  }
0x8c: {  	s16 =	sshll.u32 s0, $0xA;
	s2 =	sadd.s32 s3, s2  }
0x8d: {  	s2 =	sadd.s32 s2, s16  }
0x8e: {  	[smem:$0x3FBE] =	sst s2  }
0x8f: {  	_ = 	snop  }
0x90: {  	(tm) =	ssettm $0x1  }
0x91: {  	s17 =	sld [smem:$0x3FFB];
	_ =	sdelay $0x3  }
0x92: {  	_ =	strace s17  }
0x93: {  	s2 =	sld [smem:$0x3FFC];
	_ =	sdelay $0x3  }
0x94: {  	_ =	strace s2  }
0x95: {  	s2 =	sld [smem:$0x3FFD];
	_ =	sdelay $0x3  }
0x96: {  	_ =	strace s2  }
0x97: {  	_ =	strace $0x8FFFFFFF  }
0x98: {  	s18 =	sld [smem:$0x3FDB];
	_ =	sdelay $0x1  }
0x99: {  	s19 =	simm.s32 $_scs_section_size  }
0x9a: {  	s4 =	simm.s32 $_size__tile_overlayer_lowered;
	s5 =	simm.s32 $_tile_overlayer_lowered  }
0x9b: {  	s22 =	simm.s32 $0x1BFF;
	s21 =	sshll.u32 s5, $0x1;
	s2 =	sadd.s32 s19, s18  }
0x9c: {  	s6 =	simm.s32 $0x0;
	s20 =	sshll.u32 s4, $0x1;
	s4 =	sadd.s32 s21, s2  }
0x9d: {  	[timem:s6], [sflag:s22] =	dma.local [hbm:s4], s20  }
0x9e: {  	_ =	swait.ge [sflag:s22], s20  }
0x9f: {  	s3 =	ssub.s32 $0x0, s20;
	[sflag:s22] =	ssyncset.done $0x0  }
0xa0: {  	[sflag:s22] =	ssyncadd.s32 s3;
	_ =	sdelay $0x1  }
0xa1: {  	s23 =	simm.s32 $0x1B8B  }
0xa2: {  	_ =	swait.ge [sflag:s23], $0x1  }
0xa3: {  	[sflag:s23] =	ssyncset.done $0x0  }
0xa4: {  	s25 =	simm.s32 $0x1B8E;
	s24 =	sld [smem:$0x3FFE];
	[sflag:s23] =	ssyncadd.s32 $0xFFFFFFFF  }
0xa5: {  	s26 =	simm.s32 $execute0_lowered;
	[smem:$0x3FD2] =	sst s25  }
0xa6: {  	s4 =	sshll.u32 s26, $0x1;
	_ =	strace $0x80000046;
	[dreg:$0x1] =	wrdreg $0xFFFFFFFF  }
0xa7: {  	s28 =	simm.s32 $_size_execute0_lowered;
	s2 =	sadd.s32 s2, s4;
	[dreg:$0x0] =	wrdreg $0x0  }
0xa8: {  	s4 =	sshll.u32 s28, $0x1;
	[dreg:$0x2] =	wrdreg s2  }
0xa9: {  	[dreg:$0x3] =	wrdreg s4  }
0xaa: {  	[dreg:$0x4] =	wrdreg $0xC0  }
0xab: {  	_ =	task [dreg:s6], $0x5FFFF  }
0xac: {  	[dreg:$0x1] =	wrdreg $0xFFFFFFFF  }
0xad: {  	[dreg:$0x0] =	wrdreg $0x60  }
0xae: {  	[dreg:$0x2] =	wrdreg s24  }
0xaf: {  	[dreg:$0x3] =	wrdreg $0x41000  }
0xb0: {  	[dreg:$0x4] =	wrdreg $0x9  }
0xb1: {  	_ =	task.clear_ibuf [dreg:s6], $0x5FFFF;
	_ =	strace $0x90000046  }
0xb2: {  	s29 =	simm.s32 $0x9;
	_ =	strace $0x80000048  }
0xb3: {  	_ =	swait.ge [sflag:s29], $0x1  }
0xb4: {  	[sflag:s29] =	ssyncadd.s32 $0xFFFFFFFF  }
0xb5: {  	_ =	strace $0x90000048  }
0xb6: {  	_ =	sfence  }
0xb7: {  	s30 =	sld [smem:$0x0];
	_ =	sdelay $0x2  }
0xb8: {  	s31 =	sshll.u32 s1, $0xD;
	s1 =	sshrl.u32 s1, $0x2  }
0xb9: {  	s3 =	sand.u32 $0x4000, s31;
	s1 =	sadd.s32 s1, s30  }
0xba: {  	s0 =	sor.u32 s3, s0;
	s1 =	sshll.u32 s1, $0x11  }
0xbb: {  	s0 =	sor.u32 s1, s0  }
0xbc: {  	s0 =	sadd.s32 $0x8F2B, s0  }
0xbd: {  	[sflag:s0] =	ssyncadd.remote.s32 $0x1  }
0xbe: {  	_ =	sfence.sel $0xFFFF  }
0xbf: {  	[dreg:$0x0] =	wrdreg $0xFFFFFFFF;
	(pc) =	sbr.abs _section_cstart, $3  }
0xc0: {  	[dreg:$0x1] =	wrdreg $0xFFFFFFFF  }
0xc1: {  	_ =	task.clear_ibuf [dreg:s6], $0x2FFFF;
	_ =	strace $0x9FFFFFFF  }
0xc2: {  	(tm) =	ssettm $0x7FFFFFFF  }
0xc3: {  	_ =	shalt  }
tec
execute0_lowered:
.L_overlay_start_1:
0x0: {  	(tag) =	ssettag $0x1  }
0x1: {  	s5 =	rddreg [dreg:$0x0]  }
0x2: {  	s1 =	rddreg [dreg:$0x1]  }
0x3: {  	s0 =	rddreg [dreg:$0x2];
	s3 =	simm.s32 $0x0;
	s2 =	srdreg.scid  }
0x4: {  	s15 =	simm.s32 $0x2;
	s16 =	simm.s32 $0x80;
	s17 =	simm.s32 $0x1  }
0x5: {  	s20 =	simm.s32 $0x0;
	[smem:$0x7FF] =	sst s3;
	s8 =	sand.u32 $0x1, s2  }
0x6: {  	s2 =	stileid.u32;
	s4 =	sadd.s32 $0x16000, s5;
	s6 =	smul.u32 $0x140000, s8  }
0x7: {  	_ =	strace $0x80000047;
	s7 =	smul.u32 $0x14000, s2;
	s9 =	sshll.u32 s2, $0x5  }
0x8: {  	s10 =	smul.u32 $0x50000, s2;
	s29 =	ssub.s32 $0x2, s8;
	s31 =	sshll.u32 s8, $0x4  }
0x9: {  	s18 =	sshll.u32 s2, $0x6;
	s11 =	sadd.s32 s9, s5;
	s30 =	sshrl.u32 s29, $0x1  }
0xa: {  	s18 =	sor.u32 $0x1C02, s18;
	s6 =	sadd.s32 s7, s6;
	s10 =	sshrl.u32 s10, $0x2  }
0xb: {  	s13 =	ssub.s32 s29, s30;
	s14 =	sadd.s32 s31, s11;
	s6 =	sshrl.u32 s6, $0x3  }
0xc: {  	s11 =	smax.u32 s13, $0x1;
	s12 =	sadd.s32 s6, s5;
	s5 =	sadd.s32 s10, s1  }
0xd: {  	s13 =	sadd.s32 $0x2400, s14;
	s6 =	sadd.s32 $0x4000, s5;
	s7 =	sadd.s32 $0x8000, s5  }
0xe: {  	s8 =	sadd.s32 $0xC000, s5;
	s9 =	sadd.s32 $0x10000, s5;
	s10 =	sadd.s32 $0x3E000, s12  }
0xf: {  	v0 =	vimm.f32 $0.0e+00;
	s12 =	sadd.s32 $0xC200, s14;
	s14 =	simm.s32 $0x100;
	s19 =	sshrl.u32 s5, $0x3  }
.LBB2_1:
0x10: {  	s21 =	simm.s32 $0x0;
	s22 =	simm.s32 $0x200  }
.LBB2_2:
0x11: {  	p0 =	sne.s32 s22, $0xFE00;
	[tilespmem:s21+$0x170] =	vst v0  }
0x12: {  	[tilespmem:s21+$0x100] =	vst v0  }
0x13: {  	[tilespmem:s21+$0x110] =	vst v0  }
.Ltmp0:
0x14: {  	[tilespmem:s21+$0x120] =	vst v0;
	(pc) =	sbr.rel @p0 .LBB2_2-.Ltmp0, $4  }
0x15: {  	[tilespmem:s21+$0x130] =	vst v0  }
0x16: {  	[tilespmem:s21+$0x140] =	vst v0  }
0x17: {  	[tilespmem:s21+$0x150] =	vst v0  }
0x18: {  	[tilespmem:s21+$0x160] =	vst v0;
	s21 =	sshra.s32 s22, $0x2;
	s22 =	sadd.s32 $0x200, s22  }
0x19: {  	[tilespmem:s21+$0x170] =	vst v0  }
0x1a: {  	[tilespmem:s21+$0x100] =	vst v0  }
0x1b: {  	[tilespmem:s21+$0x110] =	vst v0  }
0x1c: {  	[tilespmem:s21+$0x120] =	vst v0  }
0x1d: {  	[tilespmem:s21+$0x130] =	vst v0  }
0x1e: {  	[tilespmem:s21+$0x140] =	vst v0  }
0x1f: {  	[tilespmem:s21+$0x150] =	vst v0  }
0x20: {  	[tilespmem:s21+$0x160] =	vst v0  }
0x21: {  	[spmem:s5] =	stream.linear.scatter [tilespmem:s14], [sflag:$0x2], $0x4000, $0x38;
	[tilespmem:$0x18100] =	vst v63  }
0x22: {  	_ =	swait.ge [sflag:s15], $0x4000  }
0x23: {  	[sflag:s15] =	ssyncset.done $0x0  }
0x24: {  	[sflag:s15] =	ssyncadd.s32 $0xFFFFC000  }
0x25: {  	[spmem:s6] =	stream.linear.scatter [tilespmem:s14], [sflag:$0x2], $0x4000, $0x38;
	[tilespmem:$0x18100] =	vst v63  }
0x26: {  	_ =	swait.ge [sflag:s15], $0x4000  }
0x27: {  	[sflag:s15] =	ssyncset.done $0x0  }
0x28: {  	[sflag:s15] =	ssyncadd.s32 $0xFFFFC000  }
0x29: {  	[spmem:s7] =	stream.linear.scatter [tilespmem:s14], [sflag:$0x2], $0x4000, $0x38;
	[tilespmem:$0x18100] =	vst v63  }
0x2a: {  	_ =	swait.ge [sflag:s15], $0x4000  }
0x2b: {  	[sflag:s15] =	ssyncset.done $0x0  }
0x2c: {  	[sflag:s15] =	ssyncadd.s32 $0xFFFFC000  }
0x2d: {  	[spmem:s8] =	stream.linear.scatter [tilespmem:s14], [sflag:$0x2], $0x4000, $0x38;
	[tilespmem:$0x18100] =	vst v63  }
0x2e: {  	_ =	swait.ge [sflag:s15], $0x4000  }
0x2f: {  	[sflag:s15] =	ssyncset.done $0x0  }
0x30: {  	[sflag:s15] =	ssyncadd.s32 $0xFFFFC000  }
0x31: {  	[spmem:s9] =	stream.linear.scatter [tilespmem:s14], [sflag:$0x2], $0x4000, $0x38;
	[tilespmem:$0x18100] =	vst v63  }
0x32: {  	_ =	swait.ge [sflag:s15], $0x4000  }
0x33: {  	[sflag:s15] =	ssyncset.done $0x0  }
0x34: {  	[sflag:s15] =	ssyncadd.s32 $0xFFFFC000  }
0x35: {  	s30 =	sadd.s32 $0x0, s12;
	[bflag:$0x0] =	sbarrier.arrive $0xFFFF  }
0x36: {  	[tilespmem:s3], [sflag:$0x2] =	stream.linear.gather [hbm4b:s30+s3], $0x80, $0x38;
	[tilespmem:$0x18100] =	vst v63  }
0x37: {  	_ =	swait.ge [sflag:s15], $0x80  }
0x38: {  	[sflag:s15] =	ssyncset.done $0x0  }
0x39: {  	s31 =	sadd.s32 $0x0, s13;
	[sflag:s15] =	ssyncadd.s32 $0xFFFFFF80  }
0x3a: {  	[tilespmem:s16], [sflag:$0x2] =	stream.linear.gather [hbm4b:s31+s3], $0x80, $0x38;
	[tilespmem:$0x18100] =	vst v63  }
0x3b: {  	_ =	swait.ge [sflag:s15], $0x80  }
0x3c: {  	[sflag:s15] =	ssyncset.done $0x0  }
0x3d: {  	[sflag:s15] =	ssyncadd.s32 $0xFFFFFF80  }
0x3e: {  	[tilespmem:s14], [sflag:$0x1] =	stream.indirect.gather [hbm4b:s4+s16], $0x80, s3, s16, $0xb8;
	[tilespmem:$0x18100] =	vst v63  }
0x3f: {  	_ =	swait.ge [sflag:s17], $0x4000  }
0x40: {  	[sflag:s17] =	ssyncset.done $0x0  }
0x41: {  	[sflag:s17] =	ssyncadd.s32 $0xFFFFC000  }
0x42: {  	[spmem:s1] =	stream.indirect.scatter.add.f32 [tilespmem:s14], [sflag:$0x2], $0x80, s16, s16, $0xb8;
	[tilespmem:$0x18100] =	vst v63  }
0x43: {  	_ =	swait.ge [sflag:s15], $0x4000  }
0x44: {  	s21 =	simm.s32 $0x200;
	s22 =	simm.s32 $0x400;
	[sflag:s15] =	ssyncset.done $0x0  }
.LBB2_4:
0x45: {  	s23 =	sadd.s32 s21, s12  }
0x46: {  	[sflag:s15] =	ssyncadd.s32 $0xFFFFC000;
	s24 =	smov.u32 s22;
	s25 =	sadd.s32 $0x200, s22  }
0x47: {  	[tilespmem:s3], [sflag:$0x2] =	stream.linear.gather [hbm4b:s23+s3], $0x80, $0x38;
	[tilespmem:$0x18100] =	vst v63  }
0x48: {  	p0 =	sne.s32 s22, $0x9C00;
	_ =	swait.ge [sflag:s15], $0x80  }
0x49: {  	[sflag:s15] =	ssyncset.done $0x0  }
0x4a: {  	s22 =	sadd.s32 s21, s13;
	s21 =	smov.u32 s24;
	[sflag:s15] =	ssyncadd.s32 $0xFFFFFF80  }
0x4b: {  	[tilespmem:s16], [sflag:$0x2] =	stream.linear.gather [hbm4b:s22+s3], $0x80, $0x38;
	[tilespmem:$0x18100] =	vst v63  }
0x4c: {  	_ =	swait.ge [sflag:s15], $0x80  }
0x4d: {  	[sflag:s15] =	ssyncset.done $0x0  }
0x4e: {  	[sflag:s15] =	ssyncadd.s32 $0xFFFFFF80  }
0x4f: {  	[tilespmem:s14], [sflag:$0x1] =	stream.indirect.gather [hbm4b:s4+s16], $0x80, s3, s16, $0xb8;
	[tilespmem:$0x18100] =	vst v63  }
0x50: {  	_ =	swait.ge [sflag:s17], $0x4000  }
.Ltmp1:
0x51: {  	[sflag:s17] =	ssyncset.done $0x0;
	(pc) =	sbr.rel @p0 .LBB2_4-.Ltmp1, $4  }
0x52: {  	[sflag:s17] =	ssyncadd.s32 $0xFFFFC000  }
0x53: {  	[spmem:s1] =	stream.indirect.scatter.add.f32 [tilespmem:s14], [sflag:$0x2], $0x80, s16, s16, $0xb8;
	[tilespmem:$0x18100] =	vst v63  }
0x54: {  	_ =	swait.ge [sflag:s15], $0x4000  }
0x55: {  	s22 =	smov.u32 s25;
	[sflag:s15] =	ssyncset.done $0x0  }
0x56: {  	s22 =	sadd.s32 s21, s12;
	[sflag:s15] =	ssyncadd.s32 $0xFFFFC000  }
0x57: {  	[tilespmem:s3], [sflag:$0x2] =	stream.linear.gather [hbm4b:s22+s3], $0x80, $0x38;
	[tilespmem:$0x18100] =	vst v63  }
0x58: {  	_ =	swait.ge [sflag:s15], $0x80  }
0x59: {  	[sflag:s15] =	ssyncset.done $0x0  }
0x5a: {  	s31 =	sadd.s32 s21, s13;
	[sflag:s15] =	ssyncadd.s32 $0xFFFFFF80  }
0x5b: {  	[tilespmem:s16], [sflag:$0x2] =	stream.linear.gather [hbm4b:s31+s3], $0x80, $0x38;
	[tilespmem:$0x18100] =	vst v63  }
0x5c: {  	_ =	swait.ge [sflag:s15], $0x80  }
0x5d: {  	[sflag:s15] =	ssyncset.done $0x0  }
0x5e: {  	[sflag:s15] =	ssyncadd.s32 $0xFFFFFF80  }
0x5f: {  	[tilespmem:s14], [sflag:$0x1] =	stream.indirect.gather [hbm4b:s4+s16], $0x80, s3, s16, $0xb8;
	[tilespmem:$0x18100] =	vst v63  }
0x60: {  	_ =	swait.ge [sflag:s17], $0x4000  }
0x61: {  	[sflag:s17] =	ssyncset.done $0x0  }
0x62: {  	[sflag:s17] =	ssyncadd.s32 $0xFFFFC000  }
0x63: {  	[spmem:s1] =	stream.indirect.scatter.add.f32 [tilespmem:s14], [sflag:$0x2], $0x80, s16, s16, $0xb8;
	[tilespmem:$0x18100] =	vst v63  }
0x64: {  	_ =	swait.ge [sflag:s15], $0x4000  }
0x65: {  	s20 =	sadd.s32 $0x1, s20;
	[sflag:s15] =	ssyncset.done $0x0  }
0x66: {  	p0 =	sne.s32 s20, s11;
	[sflag:s15] =	ssyncadd.s32 $0xFFFFC000  }
.Ltmp2:
0x67: {  	[bflag:$0x0] =	sbarrier.arrive $0xFFFF;
	(pc) =	sbr.rel @p0 .LBB2_1-.Ltmp2, $4  }
0x68: {  	[hbm:s10], [sflag:s18] =	dma.local [spmem:s19], $0x2800  }
0x69: {  	_ =	swait.ge [sflag:s15], $0x2800  }
0x6a: {  	[sflag:s15] =	ssyncset.done $0x0  }
0x6b: {  	[sflag:s15] =	ssyncadd.s32 $0xFFFFD800  }
0x6c: {  	_ =	sfence.sel $0x180000  }
0x6d: {  	[bflag:$0x0] =	sbarrier.arrive $0xFFFF  }
0x6e: {  	p0 =	sne.s32 s2, $0x0;
	_ =	strace $0x90000047  }
0x6f: {  	s0 =	sadd.s32 @!p0 $0x100000, s0;
	[bflag:$0x2] =	sbarrier.arrive $0xFFFF  }
0x70: {  	[sflag:s0] =	ssyncadd.tile.s32 @!p0 $0x1;
	_ =	shalt  }
.Lfunc_end2:
_tile_overlayer_lowered:
.L_overlay_start_2:
0x71: {  	(tag) =	ssettag $0x2  }
0x72: {  	s0 =	rddreg [dreg:$0x0];
	s2 =	stileid.u32  }
0x73: {  	s1 =	rddreg [dreg:$0x1];
	p0 =	sne.s32 s2, $0x0  }
0x74: {  	s3 =	rddreg [dreg:$0x2];
	[bflag:$0x3] =	sbarrier.arrive $0xFFFF;
	s2 =	simm.s32 @!p0 $0x1C02  }
0x75: {  	[timem:s3], [sflag:s2] =	dma.local @!p0 [hbm:s0], s1  }
0x76: {  	s0 =	simm.s32 @!p0 $0x2  }
0x77: {  	_ =	swait.ge @!p0 [sflag:s0], s1  }
0x78: {  	s1 =	ssub.s32 @!p0 $0x0, s1;
	[sflag:s0] =	ssyncset.done @!p0 $0x0  }
0x79: {  	[sflag:s0] =	ssyncadd.s32 @!p0 s1  }
0x7a: {  	[bflag:$0x3] =	sbarrier.arrive $0xFFFF  }
0x7b: {  	_ =	shalt  }

</sc_bundles>
